<compile_context>
chip_gen: v7x
topology: tpu7x:2x2x1
jax: 0.10.2.dev20260603
libtpu: 0.0.44.dev20260713+nightly
codegen_flags: <defaults>
</compile_context>

<pallas_src>
import functools

import jax
import jax.numpy as jnp
import numpy as np
from jax import lax
from jax.experimental import pallas as pl
from jax.experimental.pallas import tpu as pltpu
from jax.experimental.pallas import tpu_sc as plsc

_B = 1024
_N = 100000
_D = 128
_E = 8
_K = 2
_NOISE_EPS = 0.01

_NC = 2
_NS = 16
_NW = _NC * _NS
_PT = _N // _NW
_C = 125
_NCH = _PT // _C


_NBUF = 5


def _seg_sum_body(feat_hbm, ids_hbm, zeros_hbm, out_hbm,
                  ids_v, b0, b1, b2, b3, b4, acc_sh,
                  gs0, gs1, gs2, gs3, gs4, ss0, ss1, ss2, ss3, ss4):
    c = lax.axis_index("c")
    s = lax.axis_index("s")
    wid = c * _NS + s
    base = wid * _PT
    bufs = (b0, b1, b2, b3, b4)
    gsems = (gs0, gs1, gs2, gs3, gs4)
    ssems = (ss0, ss1, ss2, ss3, ss4)

    def gather(b, j):
        return pltpu.async_copy(feat_hbm.at[pl.ds(base + j * _C, _C)],
                                bufs[b], gsems[b])

    def scatter_desc(b, j):
        return pltpu.make_async_copy(bufs[b], acc_sh.at[ids_v.at[j]],
                                     ssems[b])

    for b in range(_NBUF):
        gather(b, b)

    rows_per_tile = _B // _NS
    pltpu.sync_copy(zeros_hbm.at[pl.ds(s * rows_per_tile, rows_per_tile)],
                    acc_sh.at[pl.ds(s * rows_per_tile, rows_per_tile)])

    pltpu.sync_copy(ids_hbm.at[wid], ids_v)
    plsc.subcore_barrier()

    @pl.loop(0, _NCH, step=_NBUF)
    def _round(g):
        for b in range(_NBUF):
            j = g + b
            pltpu.make_async_copy(feat_hbm.at[pl.ds(base + j * _C, _C)],
                                  bufs[b], gsems[b]).wait()
            pltpu.async_copy(bufs[b], acc_sh.at[ids_v.at[j]],
                             ssems[b], add=True)
        for b in range(_NBUF):
            j = g + b
            scatter_desc(b, j).wait()

            @pl.when(j + _NBUF < _NCH)
            def _():
                gather(b, j + _NBUF)

    plsc.subcore_barrier()
    pltpu.sync_copy(acc_sh.at[pl.ds(s * rows_per_tile, rows_per_tile)],
                    out_hbm.at[c, pl.ds(s * rows_per_tile, rows_per_tile)])


@functools.lru_cache(maxsize=1)
def _make_seg_sum():
    return pl.kernel(
        _seg_sum_body,
        out_type=jax.ShapeDtypeStruct((_NC, _B, _D), jnp.float32),
        mesh=plsc.VectorSubcoreMesh(core_axis_name="c", subcore_axis_name="s",
                                    num_cores=_NC, num_subcores=_NS),
        compiler_params=pltpu.CompilerParams(use_tc_tiling_on_sc=False),
        scratch_types=(
            [pltpu.VMEM((_NCH, _C), jnp.int32)]
            + [pltpu.VMEM((_C, _D), jnp.float32)] * _NBUF
            + [pltpu.VMEM_SHARED((_B, _D), jnp.float32)]
            + [pltpu.SemaphoreType.DMA] * (2 * _NBUF)
        ),
    )


def _cv_sq(x):
    m = jnp.sum(x) / _E
    v = jnp.sum((x - m) ** 2) / (_E - 1)
    return v / (m * m + 1e-10)


def _gate_expert_body(part_ref, wg_ref, wn_ref, ew_ref, noise_ref,
                      y_ref, gates_ref, loss_ref):
    feats = part_ref[0] + part_ref[1]
    dn = (((0,), (1,)), ((), ()))
    clean = lax.dot_general(wg_ref[...], feats, dn,
                            preferred_element_type=jnp.float32)
    raw = lax.dot_general(wn_ref[...], feats, dn,
                          preferred_element_type=jnp.float32)
    mx = jnp.maximum(raw, 0.0)
    stddev = mx + jnp.log(jnp.exp(raw - mx) + jnp.exp(-mx)) + _NOISE_EPS
    noisy = clean + noise_ref[...] * stddev

    eidx = lax.broadcasted_iota(jnp.int32, (_E, _B), 0)
    neg = jnp.float32(-3e38)
    cur = noisy
    vals, idxs = [], []
    for _ in range(_K + 1):
        m = jnp.max(cur, axis=0, keepdims=True)
        i = jnp.min(jnp.where(cur == m, eidx, _E), axis=0, keepdims=True)
        vals.append(m)
        idxs.append(i)
        cur = jnp.where(eidx == i, neg, cur)
    v1, v2, v3 = vals
    i1, i2 = idxs[0], idxs[1]

    e2 = jnp.exp(v2 - v1)
    denom = 1.0 + e2
    gates = (jnp.where(eidx == i1, 1.0 / denom, 0.0)
             + jnp.where(eidx == i2, e2 / denom, 0.0))
    gates_ref[...] = gates

    inv_sqrt2 = jnp.float32(0.7071067811865476)
    is_in = noisy > v3
    p_in = 0.5 * (1.0 + lax.erf((clean - v3) * inv_sqrt2 / stddev))
    p_out = 0.5 * (1.0 + lax.erf((clean - v2) * inv_sqrt2 / stddev))
    load = jnp.sum(jnp.where(is_in, p_in, p_out), axis=1, keepdims=True)
    importance = jnp.sum(gates, axis=1, keepdims=True)
    loss_ref[...] = jnp.reshape(_cv_sq(importance) + _cv_sq(load), (1, 1))

    gates_bt = jnp.transpose(gates)
    acc = jnp.zeros((_B, _D), jnp.float32)
    for e in range(_E):
        acc = acc + gates_bt[:, e:e + 1] * jnp.dot(
            feats, ew_ref[e], preferred_element_type=jnp.float32)
    y_ref[...] = acc * (1.0 / _E)


def _gate_expert(partials, w_gate, w_noise, expert_W, noise):
    return pl.pallas_call(
        _gate_expert_body,
        out_shape=(
            jax.ShapeDtypeStruct((_B, _D), jnp.float32),
            jax.ShapeDtypeStruct((_E, _B), jnp.float32),
            jax.ShapeDtypeStruct((1, 1), jnp.float32),
        ),
    )(partials, w_gate, w_noise, expert_W, noise)


_ZEROS = np.zeros((_B, _D), np.float32)


def kernel(features, segment_ids, w_gate, w_noise, expert_W, noise):
    ids = segment_ids.astype(jnp.int32).reshape(_NW, _NCH, _C)
    partials = _make_seg_sum()(features, ids, jnp.asarray(_ZEROS))
    y, gates_t, loss = _gate_expert(partials, w_gate, w_noise, expert_W,
                                    jnp.transpose(noise))
    return y, jnp.transpose(gates_t), loss.reshape(())

# --- scband reference (transcript-rebuilt; emitter-appended) ---
"""Pipeline reference for scband-mo-me-89515708383723 (READ-ONLY COPY).

The authoritative reference and input builder live on the scoring server;
editing this copy changes nothing except your own understanding.
"""

import jax, jax.numpy as jnp
import numpy as np
from jax.scipy.stats import norm

B = 1024      # number of graphs in the batch (graphs.batch_size)
N = 100000    # total nodes across the batch
D = 128       # dim_feat
E = 8         # number of pretrained experts (len(pretrained_model_list))
K = 2         # args.num_experts (top-k)
NOISE_EPS = 0.01


def setup_inputs(seed: int = 0) -> dict:
    key = jax.random.key(seed)
    ks = jax.random.split(key, 6)
    features = jax.random.normal(ks[0], (N, D), dtype=jnp.float32)
    # stand-in for graphs.batch_num_nodes(): sorted segment ids assigning each node to a graph
    segment_ids = jnp.sort(jax.random.randint(ks[1], (N,), 0, B))
    # learned params (torch inits these to zeros; small randn used to avoid degenerate top-k ties)
    w_gate = jax.random.normal(ks[2], (D, E), dtype=jnp.float32) * 0.01
    w_noise = jax.random.normal(ks[3], (D, E), dtype=jnp.float32) * 0.01
    # each expert modeled as a graph-level linear readout W_e: [D, D]
    expert_W = jax.random.normal(ks[4], (E, D, D), dtype=jnp.float32) * 0.05
    # frozen noise sample standing in for torch.randn_like(clean_logits)
    noise = jax.random.normal(ks[5], (B, E), dtype=jnp.float32)
    return {"features": features, "segment_ids": segment_ids, "w_gate": w_gate,
            "w_noise": w_noise, "expert_W": expert_W, "noise": noise}


def cv_squared(x):
    eps = 1e-10
    return jnp.var(x, ddof=1) / (jnp.mean(x) ** 2 + eps)


def _prob_in_top_k(clean, noisy, noise_stddev, top_values, k):
    batch = clean.shape[0]
    m = top_values.shape[1]
    flat = top_values.reshape(-1)
    pos_in = jnp.arange(batch) * m + k
    thr_in = flat[pos_in][:, None]
    is_in = noisy > thr_in
    thr_out = flat[pos_in - 1][:, None]
    prob_if_in = norm.cdf((clean - thr_in) / noise_stddev)
    prob_if_out = norm.cdf((clean - thr_out) / noise_stddev)
    return jnp.where(is_in, prob_if_in, prob_if_out)


def reference(features, segment_ids, w_gate, w_noise, expert_W, noise):
    # per-graph readout: sum of node features over each graph (the python loop in torch)
    feats_g = jax.ops.segment_sum(features, segment_ids, num_segments=B)  # [B, D]
    # noisy top-k gating (training=True, noisy_gating=True)
    clean_logits = feats_g @ w_gate
    noise_stddev = jax.nn.softplus(feats_g @ w_noise) + NOISE_EPS
    noisy_logits = clean_logits + noise * noise_stddev
    logits = noisy_logits
    top_logits, top_indices = jax.lax.top_k(logits, min(K + 1, E))
    top_k_logits = top_logits[:, :K]
    top_k_indices = top_indices[:, :K]
    top_k_gates = jax.nn.softmax(top_k_logits, axis=1)
    rows = jnp.arange(B)[:, None]
    gates = jnp.zeros_like(logits).at[rows, top_k_indices].set(top_k_gates)  # scatter-overwrite
    load = _prob_in_top_k(clean_logits, noisy_logits, noise_stddev, top_logits, K).sum(0)
    importance = gates.sum(0)
    gate_loss = cv_squared(importance) + cv_squared(load)
    # all experts run densely on the batch (as in the torch loop over self.experts)
    expert_outputs = jnp.einsum('bd,edf->bef', feats_g, expert_W)  # [B, E, D]
    y = (gates[:, :, None] * expert_outputs).mean(axis=1)  # [B, D]
    return (y, gates, gate_loss)

if __name__ == "__main__":
    import jax
    _d = setup_inputs()
    print(jax.jit(kernel)(*tuple(_d.values())))

</pallas_src>

<mosaic_0001>
#map = affine_map<(d0, d1) -> (0, 0)>
#map1 = affine_map<(d0, d1) -> (0, 0, 0)>
module attributes {stable_mosaic.version = 14 : i64} {
  func.func @_seg_sum_body(%arg0: i32, %arg1: i32, %arg2: memref<100000x128xf32, #tpu.memory_space<hbm>>, %arg3: memref<32x25x125xi32, #tpu.memory_space<hbm>>, %arg4: memref<1024x128xf32, #tpu.memory_space<hbm>>, %arg5: memref<2x1024x128xf32, #tpu.memory_space<hbm>>, %arg6: memref<25x125xi32, #tpu.memory_space<vmem>>, %arg7: memref<125x128xf32, #tpu.memory_space<vmem>>, %arg8: memref<125x128xf32, #tpu.memory_space<vmem>>, %arg9: memref<125x128xf32, #tpu.memory_space<vmem>>, %arg10: memref<125x128xf32, #tpu.memory_space<vmem>>, %arg11: memref<125x128xf32, #tpu.memory_space<vmem>>, %arg12: memref<1024x128xf32, #tpu.memory_space<vmem_shared>>, %arg13: memref<!tpu.dma_semaphore, #tpu.memory_space<semaphore_mem>>, %arg14: memref<!tpu.dma_semaphore, #tpu.memory_space<semaphore_mem>>, %arg15: memref<!tpu.dma_semaphore, #tpu.memory_space<semaphore_mem>>, %arg16: memref<!tpu.dma_semaphore, #tpu.memory_space<semaphore_mem>>, %arg17: memref<!tpu.dma_semaphore, #tpu.memory_space<semaphore_mem>>, %arg18: memref<!tpu.dma_semaphore, #tpu.memory_space<semaphore_mem>>, %arg19: memref<!tpu.dma_semaphore, #tpu.memory_space<semaphore_mem>>, %arg20: memref<!tpu.dma_semaphore, #tpu.memory_space<semaphore_mem>>, %arg21: memref<!tpu.dma_semaphore, #tpu.memory_space<semaphore_mem>>, %arg22: memref<!tpu.dma_semaphore, #tpu.memory_space<semaphore_mem>>) attributes {dimension_semantics = [#tpu.dimension_semantics<core_parallel>, #tpu.dimension_semantics<subcore_parallel>], iteration_bounds = array<i64: 2, 16>, scalar_prefetch = 0 : i64, scratch_operands = 17 : i64, tpu.core_type = #tpu.core_type<sc_vector_subcore>, window_params = [{transform_indices = #map}, {transform_indices = #map1}, {transform_indices = #map}, {transform_indices = #map1}]} {
    %mul3A = arith.constant 16 : i32
    %mul3A_0 = arith.muli %arg0, %mul3A : i32
    %add3A = arith.addi %mul3A_0, %arg1 : i32
    %mul3A_1 = arith.constant 3125 : i32
    %mul3A_2 = arith.muli %add3A, %mul3A_1 : i32
    %add3A_3 = arith.constant 0 : i32
    %add3A_4 = arith.addi %mul3A_2, %add3A_3 : i32
    %dma_start3A = arith.constant 0 : i32
    %dma_start3A_5 = tpu.memref_slice %arg2[%add3A_4, %dma_start3A] : memref<100000x128xf32, #tpu.memory_space<hbm>> -> memref<125x128xf32, #tpu.memory_space<hbm>>
    %dma_start3A_6 = arith.constant 0 : i32
    %dma_start3A_7 = tpu.memref_slice %arg2[%add3A_4, %dma_start3A_6] : memref<100000x128xf32, #tpu.memory_space<hbm>> -> memref<125x128xf32, #tpu.memory_space<hbm>>
    tpu.enqueue_dma source(%dma_start3A_7 : memref<125x128xf32, #tpu.memory_space<hbm>>) target(%arg7 : memref<125x128xf32, #tpu.memory_space<vmem>>) target_semaphore(%arg13 : memref<!tpu.dma_semaphore, #tpu.memory_space<semaphore_mem>>)
    %add3A_8 = arith.constant 125 : i32
    %add3A_9 = arith.addi %mul3A_2, %add3A_8 : i32
    %dma_start3A_10 = arith.constant 0 : i32
    %dma_start3A_11 = tpu.memref_slice %arg2[%add3A_9, %dma_start3A_10] : memref<100000x128xf32, #tpu.memory_space<hbm>> -> memref<125x128xf32, #tpu.memory_space<hbm>>
    %dma_start3A_12 = arith.constant 0 : i32
    %dma_start3A_13 = tpu.memref_slice %arg2[%add3A_9, %dma_start3A_12] : memref<100000x128xf32, #tpu.memory_space<hbm>> -> memref<125x128xf32, #tpu.memory_space<hbm>>
    tpu.enqueue_dma source(%dma_start3A_13 : memref<125x128xf32, #tpu.memory_space<hbm>>) target(%arg8 : memref<125x128xf32, #tpu.memory_space<vmem>>) target_semaphore(%arg14 : memref<!tpu.dma_semaphore, #tpu.memory_space<semaphore_mem>>)
    %add3A_14 = arith.constant 250 : i32
    %add3A_15 = arith.addi %mul3A_2, %add3A_14 : i32
    %dma_start3A_16 = arith.constant 0 : i32
    %dma_start3A_17 = tpu.memref_slice %arg2[%add3A_15, %dma_start3A_16] : memref<100000x128xf32, #tpu.memory_space<hbm>> -> memref<125x128xf32, #tpu.memory_space<hbm>>
    %dma_start3A_18 = arith.constant 0 : i32
    %dma_start3A_19 = tpu.memref_slice %arg2[%add3A_15, %dma_start3A_18] : memref<100000x128xf32, #tpu.memory_space<hbm>> -> memref<125x128xf32, #tpu.memory_space<hbm>>
    tpu.enqueue_dma source(%dma_start3A_19 : memref<125x128xf32, #tpu.memory_space<hbm>>) target(%arg9 : memref<125x128xf32, #tpu.memory_space<vmem>>) target_semaphore(%arg15 : memref<!tpu.dma_semaphore, #tpu.memory_space<semaphore_mem>>)
    %add3A_20 = arith.constant 375 : i32
    %add3A_21 = arith.addi %mul3A_2, %add3A_20 : i32
    %dma_start3A_22 = arith.constant 0 : i32
    %dma_start3A_23 = tpu.memref_slice %arg2[%add3A_21, %dma_start3A_22] : memref<100000x128xf32, #tpu.memory_space<hbm>> -> memref<125x128xf32, #tpu.memory_space<hbm>>
    %dma_start3A_24 = arith.constant 0 : i32
    %dma_start3A_25 = tpu.memref_slice %arg2[%add3A_21, %dma_start3A_24] : memref<100000x128xf32, #tpu.memory_space<hbm>> -> memref<125x128xf32, #tpu.memory_space<hbm>>
    tpu.enqueue_dma source(%dma_start3A_25 : memref<125x128xf32, #tpu.memory_space<hbm>>) target(%arg10 : memref<125x128xf32, #tpu.memory_space<vmem>>) target_semaphore(%arg16 : memref<!tpu.dma_semaphore, #tpu.memory_space<semaphore_mem>>)
    %add3A_26 = arith.constant 500 : i32
    %add3A_27 = arith.addi %mul3A_2, %add3A_26 : i32
    %dma_start3A_28 = arith.constant 0 : i32
    %dma_start3A_29 = tpu.memref_slice %arg2[%add3A_27, %dma_start3A_28] : memref<100000x128xf32, #tpu.memory_space<hbm>> -> memref<125x128xf32, #tpu.memory_space<hbm>>
    %dma_start3A_30 = arith.constant 0 : i32
    %dma_start3A_31 = tpu.memref_slice %arg2[%add3A_27, %dma_start3A_30] : memref<100000x128xf32, #tpu.memory_space<hbm>> -> memref<125x128xf32, #tpu.memory_space<hbm>>
    tpu.enqueue_dma source(%dma_start3A_31 : memref<125x128xf32, #tpu.memory_space<hbm>>) target(%arg11 : memref<125x128xf32, #tpu.memory_space<vmem>>) target_semaphore(%arg17 : memref<!tpu.dma_semaphore, #tpu.memory_space<semaphore_mem>>)
    %mul3A_32 = arith.constant 64 : i32
    %mul3A_33 = arith.muli %arg1, %mul3A_32 : i32
    %mul3A_34 = arith.constant 64 : i32
    %mul3A_35 = arith.muli %arg1, %mul3A_34 : i32
    "tpu.region"() ({
      %run_scoped3A = tpu.sem_alloc : memref<!tpu.dma_semaphore, #tpu.memory_space<semaphore_mem>>
      %dma_start3A_45 = arith.constant 0 : i32
      %dma_start3A_46 = tpu.memref_slice %arg12[%mul3A_35, %dma_start3A_45] : memref<1024x128xf32, #tpu.memory_space<vmem_shared>> -> memref<64x128xf32, #tpu.memory_space<vmem_shared>>
      %dma_start3A_47 = arith.constant 0 : i32
      %dma_start3A_48 = tpu.memref_slice %arg4[%mul3A_33, %dma_start3A_47] : memref<1024x128xf32, #tpu.memory_space<hbm>> -> memref<64x128xf32, #tpu.memory_space<hbm>>
      tpu.enqueue_dma source(%dma_start3A_48 : memref<64x128xf32, #tpu.memory_space<hbm>>) target(%dma_start3A_46 : memref<64x128xf32, #tpu.memory_space<vmem_shared>>) target_semaphore(%run_scoped3A : memref<!tpu.dma_semaphore, #tpu.memory_space<semaphore_mem>>)
      %dma_wait3A = arith.constant 0 : i32
      %dma_wait3A_49 = tpu.memref_slice %arg12[%mul3A_35, %dma_wait3A] : memref<1024x128xf32, #tpu.memory_space<vmem_shared>> -> memref<64x128xf32, #tpu.memory_space<vmem_shared>>
      %dma_wait3A_50 = arith.constant 0 : i32
      %dma_wait3A_51 = tpu.memref_slice %arg4[%mul3A_33, %dma_wait3A_50] : memref<1024x128xf32, #tpu.memory_space<hbm>> -> memref<64x128xf32, #tpu.memory_space<hbm>>
      tpu.wait_dma2 semaphore(%run_scoped3A : memref<!tpu.dma_semaphore, #tpu.memory_space<semaphore_mem>>) src(%dma_wait3A_51 : memref<64x128xf32, #tpu.memory_space<hbm>>) dst(%dma_wait3A_49 : memref<64x128xf32, #tpu.memory_space<vmem_shared>>)
      tpu.yield
    }) : () -> ()
    "tpu.region"() ({
      %run_scoped3A = tpu.sem_alloc : memref<!tpu.dma_semaphore, #tpu.memory_space<semaphore_mem>>
      %dma_start3A_45 = arith.constant 0 : i32
      %dma_start3A_46 = arith.constant 0 : i32
      %dma_start3A_47 = tpu.memref_slice %arg3[%add3A, %dma_start3A_45, %dma_start3A_46] : memref<32x25x125xi32, #tpu.memory_space<hbm>> -> memref<1x25x125xi32, #tpu.memory_space<hbm>>
      %dma_start3A_48 = tpu.memref_squeeze %dma_start3A_47 : memref<1x25x125xi32, #tpu.memory_space<hbm>> -> memref<25x125xi32, #tpu.memory_space<hbm>>
      %dma_start3A_49 = arith.constant 0 : i32
      %dma_start3A_50 = arith.constant 0 : i32
      %dma_start3A_51 = tpu.memref_slice %arg3[%add3A, %dma_start3A_49, %dma_start3A_50] : memref<32x25x125xi32, #tpu.memory_space<hbm>> -> memref<1x25x125xi32, #tpu.memory_space<hbm>>
      %dma_start3A_52 = tpu.memref_squeeze %dma_start3A_51 : memref<1x25x125xi32, #tpu.memory_space<hbm>> -> memref<25x125xi32, #tpu.memory_space<hbm>>
      tpu.enqueue_dma source(%dma_start3A_52 : memref<25x125xi32, #tpu.memory_space<hbm>>) target(%arg6 : memref<25x125xi32, #tpu.memory_space<vmem>>) target_semaphore(%run_scoped3A : memref<!tpu.dma_semaphore, #tpu.memory_space<semaphore_mem>>)
      %dma_wait3A = arith.constant 0 : i32
      %dma_wait3A_53 = arith.constant 0 : i32
      %dma_wait3A_54 = tpu.memref_slice %arg3[%add3A, %dma_wait3A, %dma_wait3A_53] : memref<32x25x125xi32, #tpu.memory_space<hbm>> -> memref<1x25x125xi32, #tpu.memory_space<hbm>>
      %dma_wait3A_55 = tpu.memref_squeeze %dma_wait3A_54 : memref<1x25x125xi32, #tpu.memory_space<hbm>> -> memref<25x125xi32, #tpu.memory_space<hbm>>
      %dma_wait3A_56 = arith.constant 0 : i32
      %dma_wait3A_57 = arith.constant 0 : i32
      %dma_wait3A_58 = tpu.memref_slice %arg3[%add3A, %dma_wait3A_56, %dma_wait3A_57] : memref<32x25x125xi32, #tpu.memory_space<hbm>> -> memref<1x25x125xi32, #tpu.memory_space<hbm>>
      %dma_wait3A_59 = tpu.memref_squeeze %dma_wait3A_58 : memref<1x25x125xi32, #tpu.memory_space<hbm>> -> memref<25x125xi32, #tpu.memory_space<hbm>>
      tpu.wait_dma2 semaphore(%run_scoped3A : memref<!tpu.dma_semaphore, #tpu.memory_space<semaphore_mem>>) src(%dma_wait3A_59 : memref<25x125xi32, #tpu.memory_space<hbm>>) dst(%arg6 : memref<25x125xi32, #tpu.memory_space<vmem>>)
      tpu.yield
    }) : () -> ()
    %barrier3A = arith.constant 0 : index
    tpu.barrier barrier_id(%barrier3A)
    %scan3A = arith.constant 0 : i32
    %scan3A_36 = arith.constant 5 : i32
    %scan3A_37 = arith.addi %scan3A, %scan3A_36 : i32
    %scan3A_38 = arith.constant 1 : i32
    scf.for %scan3A_45 = %scan3A to %scan3A_37 step %scan3A_38  : i32 {
      %mul3A_46 = arith.constant 5 : i32
      %mul3A_47 = arith.muli %scan3A_45, %mul3A_46 : i32
      %add3A_48 = arith.constant 0 : i32
      %add3A_49 = arith.addi %add3A_48, %mul3A_47 : i32
      %add3A_50 = arith.constant 0 : i32
      %add3A_51 = arith.addi %add3A_49, %add3A_50 : i32
      %mul3A_52 = arith.constant 125 : i32
      %mul3A_53 = arith.muli %add3A_51, %mul3A_52 : i32
      %add3A_54 = arith.addi %mul3A_2, %mul3A_53 : i32
      %dma_wait3A = arith.constant 0 : i32
      %dma_wait3A_55 = tpu.memref_slice %arg2[%add3A_54, %dma_wait3A] : memref<100000x128xf32, #tpu.memory_space<hbm>> -> memref<125x128xf32, #tpu.memory_space<hbm>>
      %dma_wait3A_56 = arith.constant 0 : i32
      %dma_wait3A_57 = tpu.memref_slice %arg2[%add3A_54, %dma_wait3A_56] : memref<100000x128xf32, #tpu.memory_space<hbm>> -> memref<125x128xf32, #tpu.memory_space<hbm>>
      tpu.wait_dma2 semaphore(%arg13 : memref<!tpu.dma_semaphore, #tpu.memory_space<semaphore_mem>>) src(%dma_wait3A_57 : memref<125x128xf32, #tpu.memory_space<hbm>>) dst(%arg7 : memref<125x128xf32, #tpu.memory_space<vmem>>)
      %dma_start3A_58 = arith.constant 0 : i32
      %dma_start3A_59 = tpu.memref_slice %arg6[%add3A_51, %dma_start3A_58] : memref<25x125xi32, #tpu.memory_space<vmem>> -> memref<1x125xi32, #tpu.memory_space<vmem>>
      %dma_start3A_60 = tpu.memref_squeeze %dma_start3A_59 : memref<1x125xi32, #tpu.memory_space<vmem>> -> memref<125xi32, #tpu.memory_space<vmem>>
      %dma_start3A_61 = arith.constant 0 : i32
      %dma_start3A_62 = arith.constant 0 : i32
      %dma_start3A_63 = tpu.memref_slice %arg12[%dma_start3A_61, %dma_start3A_62] : memref<1024x128xf32, #tpu.memory_space<vmem_shared>> -> memref<1024x128xf32, #tpu.memory_space<vmem_shared>>
      tpu.enqueue_indirect_dma source(%arg7 : memref<125x128xf32, #tpu.memory_space<vmem>>) target(%dma_start3A_63 : memref<1024x128xf32, #tpu.memory_space<vmem_shared>>) offsets(%dma_start3A_60 : memref<125xi32, #tpu.memory_space<vmem>>) semaphore(%arg18 : memref<!tpu.dma_semaphore, #tpu.memory_space<semaphore_mem>>) {add = true}
      %add3A_64 = arith.constant 1 : i32
      %add3A_65 = arith.addi %add3A_49, %add3A_64 : i32
      %mul3A_66 = arith.constant 125 : i32
      %mul3A_67 = arith.muli %add3A_65, %mul3A_66 : i32
      %add3A_68 = arith.addi %mul3A_2, %mul3A_67 : i32
      %dma_wait3A_69 = arith.constant 0 : i32
      %dma_wait3A_70 = tpu.memref_slice %arg2[%add3A_68, %dma_wait3A_69] : memref<100000x128xf32, #tpu.memory_space<hbm>> -> memref<125x128xf32, #tpu.memory_space<hbm>>
      %dma_wait3A_71 = arith.constant 0 : i32
      %dma_wait3A_72 = tpu.memref_slice %arg2[%add3A_68, %dma_wait3A_71] : memref<100000x128xf32, #tpu.memory_space<hbm>> -> memref<125x128xf32, #tpu.memory_space<hbm>>
      tpu.wait_dma2 semaphore(%arg14 : memref<!tpu.dma_semaphore, #tpu.memory_space<semaphore_mem>>) src(%dma_wait3A_72 : memref<125x128xf32, #tpu.memory_space<hbm>>) dst(%arg8 : memref<125x128xf32, #tpu.memory_space<vmem>>)
      %dma_start3A_73 = arith.constant 0 : i32
      %dma_start3A_74 = tpu.memref_slice %arg6[%add3A_65, %dma_start3A_73] : memref<25x125xi32, #tpu.memory_space<vmem>> -> memref<1x125xi32, #tpu.memory_space<vmem>>
      %dma_start3A_75 = tpu.memref_squeeze %dma_start3A_74 : memref<1x125xi32, #tpu.memory_space<vmem>> -> memref<125xi32, #tpu.memory_space<vmem>>
      %dma_start3A_76 = arith.constant 0 : i32
      %dma_start3A_77 = arith.constant 0 : i32
      %dma_start3A_78 = tpu.memref_slice %arg12[%dma_start3A_76, %dma_start3A_77] : memref<1024x128xf32, #tpu.memory_space<vmem_shared>> -> memref<1024x128xf32, #tpu.memory_space<vmem_shared>>
      tpu.enqueue_indirect_dma source(%arg8 : memref<125x128xf32, #tpu.memory_space<vmem>>) target(%dma_start3A_78 : memref<1024x128xf32, #tpu.memory_space<vmem_shared>>) offsets(%dma_start3A_75 : memref<125xi32, #tpu.memory_space<vmem>>) semaphore(%arg19 : memref<!tpu.dma_semaphore, #tpu.memory_space<semaphore_mem>>) {add = true}
      %add3A_79 = arith.constant 2 : i32
      %add3A_80 = arith.addi %add3A_49, %add3A_79 : i32
      %mul3A_81 = arith.constant 125 : i32
      %mul3A_82 = arith.muli %add3A_80, %mul3A_81 : i32
      %add3A_83 = arith.addi %mul3A_2, %mul3A_82 : i32
      %dma_wait3A_84 = arith.constant 0 : i32
      %dma_wait3A_85 = tpu.memref_slice %arg2[%add3A_83, %dma_wait3A_84] : memref<100000x128xf32, #tpu.memory_space<hbm>> -> memref<125x128xf32, #tpu.memory_space<hbm>>
      %dma_wait3A_86 = arith.constant 0 : i32
      %dma_wait3A_87 = tpu.memref_slice %arg2[%add3A_83, %dma_wait3A_86] : memref<100000x128xf32, #tpu.memory_space<hbm>> -> memref<125x128xf32, #tpu.memory_space<hbm>>
      tpu.wait_dma2 semaphore(%arg15 : memref<!tpu.dma_semaphore, #tpu.memory_space<semaphore_mem>>) src(%dma_wait3A_87 : memref<125x128xf32, #tpu.memory_space<hbm>>) dst(%arg9 : memref<125x128xf32, #tpu.memory_space<vmem>>)
      %dma_start3A_88 = arith.constant 0 : i32
      %dma_start3A_89 = tpu.memref_slice %arg6[%add3A_80, %dma_start3A_88] : memref<25x125xi32, #tpu.memory_space<vmem>> -> memref<1x125xi32, #tpu.memory_space<vmem>>
      %dma_start3A_90 = tpu.memref_squeeze %dma_start3A_89 : memref<1x125xi32, #tpu.memory_space<vmem>> -> memref<125xi32, #tpu.memory_space<vmem>>
      %dma_start3A_91 = arith.constant 0 : i32
      %dma_start3A_92 = arith.constant 0 : i32
      %dma_start3A_93 = tpu.memref_slice %arg12[%dma_start3A_91, %dma_start3A_92] : memref<1024x128xf32, #tpu.memory_space<vmem_shared>> -> memref<1024x128xf32, #tpu.memory_space<vmem_shared>>
      tpu.enqueue_indirect_dma source(%arg9 : memref<125x128xf32, #tpu.memory_space<vmem>>) target(%dma_start3A_93 : memref<1024x128xf32, #tpu.memory_space<vmem_shared>>) offsets(%dma_start3A_90 : memref<125xi32, #tpu.memory_space<vmem>>) semaphore(%arg20 : memref<!tpu.dma_semaphore, #tpu.memory_space<semaphore_mem>>) {add = true}
      %add3A_94 = arith.constant 3 : i32
      %add3A_95 = arith.addi %add3A_49, %add3A_94 : i32
      %mul3A_96 = arith.constant 125 : i32
      %mul3A_97 = arith.muli %add3A_95, %mul3A_96 : i32
      %add3A_98 = arith.addi %mul3A_2, %mul3A_97 : i32
      %dma_wait3A_99 = arith.constant 0 : i32
      %dma_wait3A_100 = tpu.memref_slice %arg2[%add3A_98, %dma_wait3A_99] : memref<100000x128xf32, #tpu.memory_space<hbm>> -> memref<125x128xf32, #tpu.memory_space<hbm>>
      %dma_wait3A_101 = arith.constant 0 : i32
      %dma_wait3A_102 = tpu.memref_slice %arg2[%add3A_98, %dma_wait3A_101] : memref<100000x128xf32, #tpu.memory_space<hbm>> -> memref<125x128xf32, #tpu.memory_space<hbm>>
      tpu.wait_dma2 semaphore(%arg16 : memref<!tpu.dma_semaphore, #tpu.memory_space<semaphore_mem>>) src(%dma_wait3A_102 : memref<125x128xf32, #tpu.memory_space<hbm>>) dst(%arg10 : memref<125x128xf32, #tpu.memory_space<vmem>>)
      %dma_start3A_103 = arith.constant 0 : i32
      %dma_start3A_104 = tpu.memref_slice %arg6[%add3A_95, %dma_start3A_103] : memref<25x125xi32, #tpu.memory_space<vmem>> -> memref<1x125xi32, #tpu.memory_space<vmem>>
      %dma_start3A_105 = tpu.memref_squeeze %dma_start3A_104 : memref<1x125xi32, #tpu.memory_space<vmem>> -> memref<125xi32, #tpu.memory_space<vmem>>
      %dma_start3A_106 = arith.constant 0 : i32
      %dma_start3A_107 = arith.constant 0 : i32
      %dma_start3A_108 = tpu.memref_slice %arg12[%dma_start3A_106, %dma_start3A_107] : memref<1024x128xf32, #tpu.memory_space<vmem_shared>> -> memref<1024x128xf32, #tpu.memory_space<vmem_shared>>
      tpu.enqueue_indirect_dma source(%arg10 : memref<125x128xf32, #tpu.memory_space<vmem>>) target(%dma_start3A_108 : memref<1024x128xf32, #tpu.memory_space<vmem_shared>>) offsets(%dma_start3A_105 : memref<125xi32, #tpu.memory_space<vmem>>) semaphore(%arg21 : memref<!tpu.dma_semaphore, #tpu.memory_space<semaphore_mem>>) {add = true}
      %add3A_109 = arith.constant 4 : i32
      %add3A_110 = arith.addi %add3A_49, %add3A_109 : i32
      %mul3A_111 = arith.constant 125 : i32
      %mul3A_112 = arith.muli %add3A_110, %mul3A_111 : i32
      %add3A_113 = arith.addi %mul3A_2, %mul3A_112 : i32
      %dma_wait3A_114 = arith.constant 0 : i32
      %dma_wait3A_115 = tpu.memref_slice %arg2[%add3A_113, %dma_wait3A_114] : memref<100000x128xf32, #tpu.memory_space<hbm>> -> memref<125x128xf32, #tpu.memory_space<hbm>>
      %dma_wait3A_116 = arith.constant 0 : i32
      %dma_wait3A_117 = tpu.memref_slice %arg2[%add3A_113, %dma_wait3A_116] : memref<100000x128xf32, #tpu.memory_space<hbm>> -> memref<125x128xf32, #tpu.memory_space<hbm>>
      tpu.wait_dma2 semaphore(%arg17 : memref<!tpu.dma_semaphore, #tpu.memory_space<semaphore_mem>>) src(%dma_wait3A_117 : memref<125x128xf32, #tpu.memory_space<hbm>>) dst(%arg11 : memref<125x128xf32, #tpu.memory_space<vmem>>)
      %dma_start3A_118 = arith.constant 0 : i32
      %dma_start3A_119 = tpu.memref_slice %arg6[%add3A_110, %dma_start3A_118] : memref<25x125xi32, #tpu.memory_space<vmem>> -> memref<1x125xi32, #tpu.memory_space<vmem>>
      %dma_start3A_120 = tpu.memref_squeeze %dma_start3A_119 : memref<1x125xi32, #tpu.memory_space<vmem>> -> memref<125xi32, #tpu.memory_space<vmem>>
      %dma_start3A_121 = arith.constant 0 : i32
      %dma_start3A_122 = arith.constant 0 : i32
      %dma_start3A_123 = tpu.memref_slice %arg12[%dma_start3A_121, %dma_start3A_122] : memref<1024x128xf32, #tpu.memory_space<vmem_shared>> -> memref<1024x128xf32, #tpu.memory_space<vmem_shared>>
      tpu.enqueue_indirect_dma source(%arg11 : memref<125x128xf32, #tpu.memory_space<vmem>>) target(%dma_start3A_123 : memref<1024x128xf32, #tpu.memory_space<vmem_shared>>) offsets(%dma_start3A_120 : memref<125xi32, #tpu.memory_space<vmem>>) semaphore(%arg22 : memref<!tpu.dma_semaphore, #tpu.memory_space<semaphore_mem>>) {add = true}
      %add3A_124 = arith.constant 0 : i32
      %add3A_125 = arith.addi %add3A_49, %add3A_124 : i32
      %dma_wait3A_126 = arith.constant 0 : i32
      %dma_wait3A_127 = tpu.memref_slice %arg6[%add3A_125, %dma_wait3A_126] : memref<25x125xi32, #tpu.memory_space<vmem>> -> memref<1x125xi32, #tpu.memory_space<vmem>>
      %dma_wait3A_128 = tpu.memref_squeeze %dma_wait3A_127 : memref<1x125xi32, #tpu.memory_space<vmem>> -> memref<125xi32, #tpu.memory_space<vmem>>
      %dma_wait3A_129 = arith.constant 0 : i32
      %dma_wait3A_130 = arith.constant 0 : i32
      %dma_wait3A_131 = tpu.memref_slice %arg12[%dma_wait3A_129, %dma_wait3A_130] : memref<1024x128xf32, #tpu.memory_space<vmem_shared>> -> memref<1024x128xf32, #tpu.memory_space<vmem_shared>>
      tpu.wait_indirect_dma semaphore(%arg18 : memref<!tpu.dma_semaphore, #tpu.memory_space<semaphore_mem>>) src(%arg7 : memref<125x128xf32, #tpu.memory_space<vmem>>) dst(%dma_wait3A_131 : memref<1024x128xf32, #tpu.memory_space<vmem_shared>>)
      %add3A_132 = arith.constant 5 : i32
      %add3A_133 = arith.addi %add3A_125, %add3A_132 : i32
      %lt3A = arith.constant 25 : i32
      %lt3A_134 = arith.cmpi slt, %add3A_133, %lt3A : i32
      %convert_element_type3A = arith.extui %lt3A_134 : i1 to i32
      %cond3A = arith.constant 0 : i32
      %cond3A_135 = arith.cmpi ne, %convert_element_type3A, %cond3A : i32
      scf.if %cond3A_135 {
        %add3A_196 = arith.constant 5 : i32
        %add3A_197 = arith.addi %add3A_125, %add3A_196 : i32
        %mul3A_198 = arith.constant 125 : i32
        %mul3A_199 = arith.muli %add3A_197, %mul3A_198 : i32
        %add3A_200 = arith.addi %mul3A_2, %mul3A_199 : i32
        %dma_start3A_201 = arith.constant 0 : i32
        %dma_start3A_202 = tpu.memref_slice %arg2[%add3A_200, %dma_start3A_201] : memref<100000x128xf32, #tpu.memory_space<hbm>> -> memref<125x128xf32, #tpu.memory_space<hbm>>
        %dma_start3A_203 = arith.constant 0 : i32
        %dma_start3A_204 = tpu.memref_slice %arg2[%add3A_200, %dma_start3A_203] : memref<100000x128xf32, #tpu.memory_space<hbm>> -> memref<125x128xf32, #tpu.memory_space<hbm>>
        tpu.enqueue_dma source(%dma_start3A_204 : memref<125x128xf32, #tpu.memory_space<hbm>>) target(%arg7 : memref<125x128xf32, #tpu.memory_space<vmem>>) target_semaphore(%arg13 : memref<!tpu.dma_semaphore, #tpu.memory_space<semaphore_mem>>)
      } else {
      }
      %add3A_136 = arith.constant 1 : i32
      %add3A_137 = arith.addi %add3A_49, %add3A_136 : i32
      %dma_wait3A_138 = arith.constant 0 : i32
      %dma_wait3A_139 = tpu.memref_slice %arg6[%add3A_137, %dma_wait3A_138] : memref<25x125xi32, #tpu.memory_space<vmem>> -> memref<1x125xi32, #tpu.memory_space<vmem>>
      %dma_wait3A_140 = tpu.memref_squeeze %dma_wait3A_139 : memref<1x125xi32, #tpu.memory_space<vmem>> -> memref<125xi32, #tpu.memory_space<vmem>>
      %dma_wait3A_141 = arith.constant 0 : i32
      %dma_wait3A_142 = arith.constant 0 : i32
      %dma_wait3A_143 = tpu.memref_slice %arg12[%dma_wait3A_141, %dma_wait3A_142] : memref<1024x128xf32, #tpu.memory_space<vmem_shared>> -> memref<1024x128xf32, #tpu.memory_space<vmem_shared>>
      tpu.wait_indirect_dma semaphore(%arg19 : memref<!tpu.dma_semaphore, #tpu.memory_space<semaphore_mem>>) src(%arg8 : memref<125x128xf32, #tpu.memory_space<vmem>>) dst(%dma_wait3A_143 : memref<1024x128xf32, #tpu.memory_space<vmem_shared>>)
      %add3A_144 = arith.constant 5 : i32
      %add3A_145 = arith.addi %add3A_137, %add3A_144 : i32
      %lt3A_146 = arith.constant 25 : i32
      %lt3A_147 = arith.cmpi slt, %add3A_145, %lt3A_146 : i32
      %convert_element_type3A_148 = arith.extui %lt3A_147 : i1 to i32
      %cond3A_149 = arith.constant 0 : i32
      %cond3A_150 = arith.cmpi ne, %convert_element_type3A_148, %cond3A_149 : i32
      scf.if %cond3A_150 {
        %add3A_196 = arith.constant 5 : i32
        %add3A_197 = arith.addi %add3A_137, %add3A_196 : i32
        %mul3A_198 = arith.constant 125 : i32
        %mul3A_199 = arith.muli %add3A_197, %mul3A_198 : i32
        %add3A_200 = arith.addi %mul3A_2, %mul3A_199 : i32
        %dma_start3A_201 = arith.constant 0 : i32
        %dma_start3A_202 = tpu.memref_slice %arg2[%add3A_200, %dma_start3A_201] : memref<100000x128xf32, #tpu.memory_space<hbm>> -> memref<125x128xf32, #tpu.memory_space<hbm>>
        %dma_start3A_203 = arith.constant 0 : i32
        %dma_start3A_204 = tpu.memref_slice %arg2[%add3A_200, %dma_start3A_203] : memref<100000x128xf32, #tpu.memory_space<hbm>> -> memref<125x128xf32, #tpu.memory_space<hbm>>
        tpu.enqueue_dma source(%dma_start3A_204 : memref<125x128xf32, #tpu.memory_space<hbm>>) target(%arg8 : memref<125x128xf32, #tpu.memory_space<vmem>>) target_semaphore(%arg14 : memref<!tpu.dma_semaphore, #tpu.memory_space<semaphore_mem>>)
      } else {
      }
      %add3A_151 = arith.constant 2 : i32
      %add3A_152 = arith.addi %add3A_49, %add3A_151 : i32
      %dma_wait3A_153 = arith.constant 0 : i32
      %dma_wait3A_154 = tpu.memref_slice %arg6[%add3A_152, %dma_wait3A_153] : memref<25x125xi32, #tpu.memory_space<vmem>> -> memref<1x125xi32, #tpu.memory_space<vmem>>
      %dma_wait3A_155 = tpu.memref_squeeze %dma_wait3A_154 : memref<1x125xi32, #tpu.memory_space<vmem>> -> memref<125xi32, #tpu.memory_space<vmem>>
      %dma_wait3A_156 = arith.constant 0 : i32
      %dma_wait3A_157 = arith.constant 0 : i32
      %dma_wait3A_158 = tpu.memref_slice %arg12[%dma_wait3A_156, %dma_wait3A_157] : memref<1024x128xf32, #tpu.memory_space<vmem_shared>> -> memref<1024x128xf32, #tpu.memory_space<vmem_shared>>
      tpu.wait_indirect_dma semaphore(%arg20 : memref<!tpu.dma_semaphore, #tpu.memory_space<semaphore_mem>>) src(%arg9 : memref<125x128xf32, #tpu.memory_space<vmem>>) dst(%dma_wait3A_158 : memref<1024x128xf32, #tpu.memory_space<vmem_shared>>)
      %add3A_159 = arith.constant 5 : i32
      %add3A_160 = arith.addi %add3A_152, %add3A_159 : i32
      %lt3A_161 = arith.constant 25 : i32
      %lt3A_162 = arith.cmpi slt, %add3A_160, %lt3A_161 : i32
      %convert_element_type3A_163 = arith.extui %lt3A_162 : i1 to i32
      %cond3A_164 = arith.constant 0 : i32
      %cond3A_165 = arith.cmpi ne, %convert_element_type3A_163, %cond3A_164 : i32
      scf.if %cond3A_165 {
        %add3A_196 = arith.constant 5 : i32
        %add3A_197 = arith.addi %add3A_152, %add3A_196 : i32
        %mul3A_198 = arith.constant 125 : i32
        %mul3A_199 = arith.muli %add3A_197, %mul3A_198 : i32
        %add3A_200 = arith.addi %mul3A_2, %mul3A_199 : i32
        %dma_start3A_201 = arith.constant 0 : i32
        %dma_start3A_202 = tpu.memref_slice %arg2[%add3A_200, %dma_start3A_201] : memref<100000x128xf32, #tpu.memory_space<hbm>> -> memref<125x128xf32, #tpu.memory_space<hbm>>
        %dma_start3A_203 = arith.constant 0 : i32
        %dma_start3A_204 = tpu.memref_slice %arg2[%add3A_200, %dma_start3A_203] : memref<100000x128xf32, #tpu.memory_space<hbm>> -> memref<125x128xf32, #tpu.memory_space<hbm>>
        tpu.enqueue_dma source(%dma_start3A_204 : memref<125x128xf32, #tpu.memory_space<hbm>>) target(%arg9 : memref<125x128xf32, #tpu.memory_space<vmem>>) target_semaphore(%arg15 : memref<!tpu.dma_semaphore, #tpu.memory_space<semaphore_mem>>)
      } else {
      }
      %add3A_166 = arith.constant 3 : i32
      %add3A_167 = arith.addi %add3A_49, %add3A_166 : i32
      %dma_wait3A_168 = arith.constant 0 : i32
      %dma_wait3A_169 = tpu.memref_slice %arg6[%add3A_167, %dma_wait3A_168] : memref<25x125xi32, #tpu.memory_space<vmem>> -> memref<1x125xi32, #tpu.memory_space<vmem>>
      %dma_wait3A_170 = tpu.memref_squeeze %dma_wait3A_169 : memref<1x125xi32, #tpu.memory_space<vmem>> -> memref<125xi32, #tpu.memory_space<vmem>>
      %dma_wait3A_171 = arith.constant 0 : i32
      %dma_wait3A_172 = arith.constant 0 : i32
      %dma_wait3A_173 = tpu.memref_slice %arg12[%dma_wait3A_171, %dma_wait3A_172] : memref<1024x128xf32, #tpu.memory_space<vmem_shared>> -> memref<1024x128xf32, #tpu.memory_space<vmem_shared>>
      tpu.wait_indirect_dma semaphore(%arg21 : memref<!tpu.dma_semaphore, #tpu.memory_space<semaphore_mem>>) src(%arg10 : memref<125x128xf32, #tpu.memory_space<vmem>>) dst(%dma_wait3A_173 : memref<1024x128xf32, #tpu.memory_space<vmem_shared>>)
      %add3A_174 = arith.constant 5 : i32
      %add3A_175 = arith.addi %add3A_167, %add3A_174 : i32
      %lt3A_176 = arith.constant 25 : i32
      %lt3A_177 = arith.cmpi slt, %add3A_175, %lt3A_176 : i32
      %convert_element_type3A_178 = arith.extui %lt3A_177 : i1 to i32
      %cond3A_179 = arith.constant 0 : i32
      %cond3A_180 = arith.cmpi ne, %convert_element_type3A_178, %cond3A_179 : i32
      scf.if %cond3A_180 {
        %add3A_196 = arith.constant 5 : i32
        %add3A_197 = arith.addi %add3A_167, %add3A_196 : i32
        %mul3A_198 = arith.constant 125 : i32
        %mul3A_199 = arith.muli %add3A_197, %mul3A_198 : i32
        %add3A_200 = arith.addi %mul3A_2, %mul3A_199 : i32
        %dma_start3A_201 = arith.constant 0 : i32
        %dma_start3A_202 = tpu.memref_slice %arg2[%add3A_200, %dma_start3A_201] : memref<100000x128xf32, #tpu.memory_space<hbm>> -> memref<125x128xf32, #tpu.memory_space<hbm>>
        %dma_start3A_203 = arith.constant 0 : i32
        %dma_start3A_204 = tpu.memref_slice %arg2[%add3A_200, %dma_start3A_203] : memref<100000x128xf32, #tpu.memory_space<hbm>> -> memref<125x128xf32, #tpu.memory_space<hbm>>
        tpu.enqueue_dma source(%dma_start3A_204 : memref<125x128xf32, #tpu.memory_space<hbm>>) target(%arg10 : memref<125x128xf32, #tpu.memory_space<vmem>>) target_semaphore(%arg16 : memref<!tpu.dma_semaphore, #tpu.memory_space<semaphore_mem>>)
      } else {
      }
      %add3A_181 = arith.constant 4 : i32
      %add3A_182 = arith.addi %add3A_49, %add3A_181 : i32
      %dma_wait3A_183 = arith.constant 0 : i32
      %dma_wait3A_184 = tpu.memref_slice %arg6[%add3A_182, %dma_wait3A_183] : memref<25x125xi32, #tpu.memory_space<vmem>> -> memref<1x125xi32, #tpu.memory_space<vmem>>
      %dma_wait3A_185 = tpu.memref_squeeze %dma_wait3A_184 : memref<1x125xi32, #tpu.memory_space<vmem>> -> memref<125xi32, #tpu.memory_space<vmem>>
      %dma_wait3A_186 = arith.constant 0 : i32
      %dma_wait3A_187 = arith.constant 0 : i32
      %dma_wait3A_188 = tpu.memref_slice %arg12[%dma_wait3A_186, %dma_wait3A_187] : memref<1024x128xf32, #tpu.memory_space<vmem_shared>> -> memref<1024x128xf32, #tpu.memory_space<vmem_shared>>
      tpu.wait_indirect_dma semaphore(%arg22 : memref<!tpu.dma_semaphore, #tpu.memory_space<semaphore_mem>>) src(%arg11 : memref<125x128xf32, #tpu.memory_space<vmem>>) dst(%dma_wait3A_188 : memref<1024x128xf32, #tpu.memory_space<vmem_shared>>)
      %add3A_189 = arith.constant 5 : i32
      %add3A_190 = arith.addi %add3A_182, %add3A_189 : i32
      %lt3A_191 = arith.constant 25 : i32
      %lt3A_192 = arith.cmpi slt, %add3A_190, %lt3A_191 : i32
      %convert_element_type3A_193 = arith.extui %lt3A_192 : i1 to i32
      %cond3A_194 = arith.constant 0 : i32
      %cond3A_195 = arith.cmpi ne, %convert_element_type3A_193, %cond3A_194 : i32
      scf.if %cond3A_195 {
        %add3A_196 = arith.constant 5 : i32
        %add3A_197 = arith.addi %add3A_182, %add3A_196 : i32
        %mul3A_198 = arith.constant 125 : i32
        %mul3A_199 = arith.muli %add3A_197, %mul3A_198 : i32
        %add3A_200 = arith.addi %mul3A_2, %mul3A_199 : i32
        %dma_start3A_201 = arith.constant 0 : i32
        %dma_start3A_202 = tpu.memref_slice %arg2[%add3A_200, %dma_start3A_201] : memref<100000x128xf32, #tpu.memory_space<hbm>> -> memref<125x128xf32, #tpu.memory_space<hbm>>
        %dma_start3A_203 = arith.constant 0 : i32
        %dma_start3A_204 = tpu.memref_slice %arg2[%add3A_200, %dma_start3A_203] : memref<100000x128xf32, #tpu.memory_space<hbm>> -> memref<125x128xf32, #tpu.memory_space<hbm>>
        tpu.enqueue_dma source(%dma_start3A_204 : memref<125x128xf32, #tpu.memory_space<hbm>>) target(%arg11 : memref<125x128xf32, #tpu.memory_space<vmem>>) target_semaphore(%arg17 : memref<!tpu.dma_semaphore, #tpu.memory_space<semaphore_mem>>)
      } else {
      }
    }
    %scan3A_39 = arith.constant 5 : i32
    %barrier3A_40 = arith.constant 0 : index
    tpu.barrier barrier_id(%barrier3A_40)
    %mul3A_41 = arith.constant 64 : i32
    %mul3A_42 = arith.muli %arg1, %mul3A_41 : i32
    %mul3A_43 = arith.constant 64 : i32
    %mul3A_44 = arith.muli %arg1, %mul3A_43 : i32
    "tpu.region"() ({
      %run_scoped3A = tpu.sem_alloc : memref<!tpu.dma_semaphore, #tpu.memory_space<semaphore_mem>>
      %dma_start3A_45 = arith.constant 0 : i32
      %dma_start3A_46 = tpu.memref_slice %arg5[%arg0, %mul3A_44, %dma_start3A_45] : memref<2x1024x128xf32, #tpu.memory_space<hbm>> -> memref<1x64x128xf32, #tpu.memory_space<hbm>>
      %dma_start3A_47 = tpu.memref_squeeze %dma_start3A_46 : memref<1x64x128xf32, #tpu.memory_space<hbm>> -> memref<64x128xf32, #tpu.memory_space<hbm>>
      %dma_start3A_48 = arith.constant 0 : i32
      %dma_start3A_49 = tpu.memref_slice %arg12[%mul3A_42, %dma_start3A_48] : memref<1024x128xf32, #tpu.memory_space<vmem_shared>> -> memref<64x128xf32, #tpu.memory_space<vmem_shared>>
      tpu.enqueue_dma source(%dma_start3A_49 : memref<64x128xf32, #tpu.memory_space<vmem_shared>>) target(%dma_start3A_47 : memref<64x128xf32, #tpu.memory_space<hbm>>) target_semaphore(%run_scoped3A : memref<!tpu.dma_semaphore, #tpu.memory_space<semaphore_mem>>)
      %dma_wait3A = arith.constant 0 : i32
      %dma_wait3A_50 = tpu.memref_slice %arg5[%arg0, %mul3A_44, %dma_wait3A] : memref<2x1024x128xf32, #tpu.memory_space<hbm>> -> memref<1x64x128xf32, #tpu.memory_space<hbm>>
      %dma_wait3A_51 = tpu.memref_squeeze %dma_wait3A_50 : memref<1x64x128xf32, #tpu.memory_space<hbm>> -> memref<64x128xf32, #tpu.memory_space<hbm>>
      %dma_wait3A_52 = arith.constant 0 : i32
      %dma_wait3A_53 = tpu.memref_slice %arg12[%mul3A_42, %dma_wait3A_52] : memref<1024x128xf32, #tpu.memory_space<vmem_shared>> -> memref<64x128xf32, #tpu.memory_space<vmem_shared>>
      tpu.wait_dma2 semaphore(%run_scoped3A : memref<!tpu.dma_semaphore, #tpu.memory_space<semaphore_mem>>) src(%dma_wait3A_53 : memref<64x128xf32, #tpu.memory_space<vmem_shared>>) dst(%dma_wait3A_51 : memref<64x128xf32, #tpu.memory_space<hbm>>)
      tpu.yield
    }) : () -> ()
    return
  }
}

module attributes {stable_mosaic.version = 14 : i64} {
  func.func @_gate_expert_body(%arg0: memref<2x1024x128xf32, #tpu.memory_space<vmem>>, %arg1: memref<128x8xf32, #tpu.memory_space<vmem>>, %arg2: memref<128x8xf32, #tpu.memory_space<vmem>>, %arg3: memref<8x128x128xf32, #tpu.memory_space<vmem>>, %arg4: memref<8x1024xf32, #tpu.memory_space<vmem>>, %arg5: memref<1024x128xf32, #tpu.memory_space<vmem>>, %arg6: memref<8x1024xf32, #tpu.memory_space<vmem>>, %arg7: memref<1x1xf32, #tpu.memory_space<vmem>>) attributes {dimension_semantics = [], scalar_prefetch = 0 : i64, scratch_operands = 0 : i64, tpu.core_type = #tpu.core_type<tc>} {
    %get3A = arith.constant 0 : index
    %get3A_0 = arith.constant 0 : index
    %get3A_1 = arith.constant 0 : index
    %get3A_2 = vector.load %arg0[%get3A, %get3A_0, %get3A_1] : memref<2x1024x128xf32, #tpu.memory_space<vmem>>, vector<1x1024x128xf32>
    %get3A_3 = vector.shape_cast %get3A_2 : vector<1x1024x128xf32> to vector<1024x128xf32>
    %get3A_4 = arith.constant 1 : index
    %get3A_5 = arith.constant 0 : index
    %get3A_6 = arith.constant 0 : index
    %get3A_7 = vector.load %arg0[%get3A_4, %get3A_5, %get3A_6] : memref<2x1024x128xf32, #tpu.memory_space<vmem>>, vector<1x1024x128xf32>
    %get3A_8 = vector.shape_cast %get3A_7 : vector<1x1024x128xf32> to vector<1024x128xf32>
    %add3A = arith.addf %get3A_3, %get3A_8 : vector<1024x128xf32>
    %get3A_9 = arith.constant 0 : index
    %get3A_10 = arith.constant 0 : index
    %get3A_11 = vector.load %arg1[%get3A_9, %get3A_10] : memref<128x8xf32, #tpu.memory_space<vmem>>, vector<128x8xf32>
    %dot_general3A = arith.constant dense<0.000000e+00> : vector<8x1024xf32>
    %dot_general3A_12 = tpu.matmul %get3A_11, %add3A, %dot_general3A {dimension_numbers = #tpu.dot_dimension_numbers<[0], [1], [1], [0], [0, 1, 1, 0], [], []>, transpose_lhs_hint = false} : vector<128x8xf32>, vector<1024x128xf32>, vector<8x1024xf32> -> vector<8x1024xf32>
    %get3A_13 = arith.constant 0 : index
    %get3A_14 = arith.constant 0 : index
    %get3A_15 = vector.load %arg2[%get3A_13, %get3A_14] : memref<128x8xf32, #tpu.memory_space<vmem>>, vector<128x8xf32>
    %dot_general3A_16 = arith.constant dense<0.000000e+00> : vector<8x1024xf32>
    %dot_general3A_17 = tpu.matmul %get3A_15, %add3A, %dot_general3A_16 {dimension_numbers = #tpu.dot_dimension_numbers<[0], [1], [1], [0], [0, 1, 1, 0], [], []>, transpose_lhs_hint = false} : vector<128x8xf32>, vector<1024x128xf32>, vector<8x1024xf32> -> vector<8x1024xf32>
    %max3A = arith.constant 0.000000e+00 : f32
    %max3A_18 = vector.broadcast %max3A : f32 to vector<8x1024xf32>
    %max3A_19 = arith.maximumf %dot_general3A_17, %max3A_18 : vector<8x1024xf32>
    %sub3A = arith.subf %dot_general3A_17, %max3A_19 : vector<8x1024xf32>
    %exp3A = math.exp %sub3A : vector<8x1024xf32>
    %neg3A = arith.constant 0.000000e+00 : f32
    %neg3A_20 = vector.broadcast %neg3A : f32 to vector<8x1024xf32>
    %neg3A_21 = arith.subf %neg3A_20, %max3A_19 : vector<8x1024xf32>
    %exp3A_22 = math.exp %neg3A_21 : vector<8x1024xf32>
    %add3A_23 = arith.addf %exp3A, %exp3A_22 : vector<8x1024xf32>
    %log3A = math.log %add3A_23 : vector<8x1024xf32>
    %add3A_24 = arith.addf %max3A_19, %log3A : vector<8x1024xf32>
    %add3A_25 = arith.constant 0.00999999977 : f32
    %add3A_26 = vector.broadcast %add3A_25 : f32 to vector<8x1024xf32>
    %add3A_27 = arith.addf %add3A_24, %add3A_26 : vector<8x1024xf32>
    %get3A_28 = arith.constant 0 : index
    %get3A_29 = arith.constant 0 : index
    %get3A_30 = vector.load %arg4[%get3A_28, %get3A_29] : memref<8x1024xf32, #tpu.memory_space<vmem>>, vector<8x1024xf32>
    %mul3A = arith.mulf %get3A_30, %add3A_27 : vector<8x1024xf32>
    %add3A_31 = arith.addf %dot_general3A_12, %mul3A : vector<8x1024xf32>
    %iota3A = tpu.iota {dimensions = array<i32: 0>} : vector<8x1024xi32>
    %reduce_max3A = arith.constant dense<0xFF800000> : vector<1024xf32>
    %reduce_max3A_32 = vector.multi_reduction <maximumf>, %add3A_31, %reduce_max3A [0] : vector<8x1024xf32> to vector<1024xf32>
    %broadcast_in_dim3A = vector.shape_cast %reduce_max3A_32 : vector<1024xf32> to vector<1x1024xf32>
    %eq3A = vector.broadcast %broadcast_in_dim3A : vector<1x1024xf32> to vector<8x1024xf32>
    %eq3A_33 = arith.cmpf oeq, %add3A_31, %eq3A : vector<8x1024xf32>
    %jit3A = arith.constant 8 : i32
    %broadcast_in_dim3A_34 = vector.broadcast %jit3A : i32 to vector<8x1024xi32>
    %select_n3A = arith.select %eq3A_33, %iota3A, %broadcast_in_dim3A_34 : vector<8x1024xi1>, vector<8x1024xi32>
    %reduce_min3A = arith.constant dense<2147483647> : vector<1024xi32>
    %reduce_min3A_35 = vector.multi_reduction <minsi>, %select_n3A, %reduce_min3A [0] : vector<8x1024xi32> to vector<1024xi32>
    %broadcast_in_dim3A_36 = vector.shape_cast %reduce_min3A_35 : vector<1024xi32> to vector<1x1024xi32>
    %eq3A_37 = vector.broadcast %broadcast_in_dim3A_36 : vector<1x1024xi32> to vector<8x1024xi32>
    %eq3A_38 = arith.cmpi eq, %iota3A, %eq3A_37 : vector<8x1024xi32>
    %jit3A_39 = arith.constant -3.000000e+38 : f32
    %broadcast_in_dim3A_40 = vector.broadcast %jit3A_39 : f32 to vector<8x1024xf32>
    %select_n3A_41 = arith.select %eq3A_38, %broadcast_in_dim3A_40, %add3A_31 : vector<8x1024xi1>, vector<8x1024xf32>
    %reduce_max3A_42 = arith.constant dense<0xFF800000> : vector<1024xf32>
    %reduce_max3A_43 = vector.multi_reduction <maximumf>, %select_n3A_41, %reduce_max3A_42 [0] : vector<8x1024xf32> to vector<1024xf32>
    %broadcast_in_dim3A_44 = vector.shape_cast %reduce_max3A_43 : vector<1024xf32> to vector<1x1024xf32>
    %eq3A_45 = vector.broadcast %broadcast_in_dim3A_44 : vector<1x1024xf32> to vector<8x1024xf32>
    %eq3A_46 = arith.cmpf oeq, %select_n3A_41, %eq3A_45 : vector<8x1024xf32>
    %jit3A_47 = arith.constant 8 : i32
    %broadcast_in_dim3A_48 = vector.broadcast %jit3A_47 : i32 to vector<8x1024xi32>
    %select_n3A_49 = arith.select %eq3A_46, %iota3A, %broadcast_in_dim3A_48 : vector<8x1024xi1>, vector<8x1024xi32>
    %reduce_min3A_50 = arith.constant dense<2147483647> : vector<1024xi32>
    %reduce_min3A_51 = vector.multi_reduction <minsi>, %select_n3A_49, %reduce_min3A_50 [0] : vector<8x1024xi32> to vector<1024xi32>
    %broadcast_in_dim3A_52 = vector.shape_cast %reduce_min3A_51 : vector<1024xi32> to vector<1x1024xi32>
    %eq3A_53 = vector.broadcast %broadcast_in_dim3A_52 : vector<1x1024xi32> to vector<8x1024xi32>
    %eq3A_54 = arith.cmpi eq, %iota3A, %eq3A_53 : vector<8x1024xi32>
    %jit3A_55 = arith.constant -3.000000e+38 : f32
    %broadcast_in_dim3A_56 = vector.broadcast %jit3A_55 : f32 to vector<8x1024xf32>
    %select_n3A_57 = arith.select %eq3A_54, %broadcast_in_dim3A_56, %select_n3A_41 : vector<8x1024xi1>, vector<8x1024xf32>
    %reduce_max3A_58 = arith.constant dense<0xFF800000> : vector<1024xf32>
    %reduce_max3A_59 = vector.multi_reduction <maximumf>, %select_n3A_57, %reduce_max3A_58 [0] : vector<8x1024xf32> to vector<1024xf32>
    %broadcast_in_dim3A_60 = vector.shape_cast %reduce_max3A_59 : vector<1024xf32> to vector<1x1024xf32>
    %sub3A_61 = arith.subf %broadcast_in_dim3A_44, %broadcast_in_dim3A : vector<1x1024xf32>
    %exp3A_62 = math.exp %sub3A_61 : vector<1x1024xf32>
    %add3A_63 = arith.constant 1.000000e+00 : f32
    %add3A_64 = vector.broadcast %add3A_63 : f32 to vector<1x1024xf32>
    %add3A_65 = arith.addf %add3A_64, %exp3A_62 : vector<1x1024xf32>
    %eq3A_66 = vector.broadcast %broadcast_in_dim3A_36 : vector<1x1024xi32> to vector<8x1024xi32>
    %eq3A_67 = arith.cmpi eq, %iota3A, %eq3A_66 : vector<8x1024xi32>
    %div3A = arith.constant 1.000000e+00 : f32
    %div3A_68 = vector.broadcast %div3A : f32 to vector<1x1024xf32>
    %div3A_69 = arith.divf %div3A_68, %add3A_65 : vector<1x1024xf32>
    %jit3A_70 = arith.constant 0.000000e+00 : f32
    %broadcast_in_dim3A_71 = vector.shape_cast %div3A_69 : vector<1x1024xf32> to vector<1x1024xf32>
    %broadcast_in_dim3A_72 = vector.broadcast %broadcast_in_dim3A_71 : vector<1x1024xf32> to vector<8x1024xf32>
    %broadcast_in_dim3A_73 = vector.broadcast %jit3A_70 : f32 to vector<8x1024xf32>
    %select_n3A_74 = arith.select %eq3A_67, %broadcast_in_dim3A_72, %broadcast_in_dim3A_73 : vector<8x1024xi1>, vector<8x1024xf32>
    %eq3A_75 = vector.broadcast %broadcast_in_dim3A_52 : vector<1x1024xi32> to vector<8x1024xi32>
    %eq3A_76 = arith.cmpi eq, %iota3A, %eq3A_75 : vector<8x1024xi32>
    %div3A_77 = arith.divf %exp3A_62, %add3A_65 : vector<1x1024xf32>
    %jit3A_78 = arith.constant 0.000000e+00 : f32
    %broadcast_in_dim3A_79 = vector.shape_cast %div3A_77 : vector<1x1024xf32> to vector<1x1024xf32>
    %broadcast_in_dim3A_80 = vector.broadcast %broadcast_in_dim3A_79 : vector<1x1024xf32> to vector<8x1024xf32>
    %broadcast_in_dim3A_81 = vector.broadcast %jit3A_78 : f32 to vector<8x1024xf32>
    %select_n3A_82 = arith.select %eq3A_76, %broadcast_in_dim3A_80, %broadcast_in_dim3A_81 : vector<8x1024xi1>, vector<8x1024xf32>
    %add3A_83 = arith.addf %select_n3A_74, %select_n3A_82 : vector<8x1024xf32>
    %swap3A = arith.constant 0 : index
    %swap3A_84 = arith.constant 0 : index
    %swap3A_85 = vector.load %arg6[%swap3A, %swap3A_84] : memref<8x1024xf32, #tpu.memory_space<vmem>>, vector<8x1024xf32>
    tpu.vector_store %arg6[%swap3A, %swap3A_84], %add3A_83 {strides = array<i32>} : memref<8x1024xf32, #tpu.memory_space<vmem>>, vector<8x1024xf32>,
    %gt3A = vector.broadcast %broadcast_in_dim3A_60 : vector<1x1024xf32> to vector<8x1024xf32>
    %gt3A_86 = arith.cmpf ogt, %add3A_31, %gt3A : vector<8x1024xf32>
    %sub3A_87 = vector.broadcast %broadcast_in_dim3A_60 : vector<1x1024xf32> to vector<8x1024xf32>
    %sub3A_88 = arith.subf %dot_general3A_12, %sub3A_87 : vector<8x1024xf32>
    %mul3A_89 = arith.constant 0.707106769 : f32
    %mul3A_90 = vector.broadcast %mul3A_89 : f32 to vector<8x1024xf32>
    %mul3A_91 = arith.mulf %sub3A_88, %mul3A_90 : vector<8x1024xf32>
    %div3A_92 = arith.divf %mul3A_91, %add3A_27 : vector<8x1024xf32>
    %erf3A = math.erf %div3A_92 : vector<8x1024xf32>
    %add3A_93 = arith.constant 1.000000e+00 : f32
    %add3A_94 = vector.broadcast %add3A_93 : f32 to vector<8x1024xf32>
    %add3A_95 = arith.addf %add3A_94, %erf3A : vector<8x1024xf32>
    %mul3A_96 = arith.constant 5.000000e-01 : f32
    %mul3A_97 = vector.broadcast %mul3A_96 : f32 to vector<8x1024xf32>
    %mul3A_98 = arith.mulf %mul3A_97, %add3A_95 : vector<8x1024xf32>
    %sub3A_99 = vector.broadcast %broadcast_in_dim3A_44 : vector<1x1024xf32> to vector<8x1024xf32>
    %sub3A_100 = arith.subf %dot_general3A_12, %sub3A_99 : vector<8x1024xf32>
    %mul3A_101 = arith.constant 0.707106769 : f32
    %mul3A_102 = vector.broadcast %mul3A_101 : f32 to vector<8x1024xf32>
    %mul3A_103 = arith.mulf %sub3A_100, %mul3A_102 : vector<8x1024xf32>
    %div3A_104 = arith.divf %mul3A_103, %add3A_27 : vector<8x1024xf32>
    %erf3A_105 = math.erf %div3A_104 : vector<8x1024xf32>
    %add3A_106 = arith.constant 1.000000e+00 : f32
    %add3A_107 = vector.broadcast %add3A_106 : f32 to vector<8x1024xf32>
    %add3A_108 = arith.addf %add3A_107, %erf3A_105 : vector<8x1024xf32>
    %mul3A_109 = arith.constant 5.000000e-01 : f32
    %mul3A_110 = vector.broadcast %mul3A_109 : f32 to vector<8x1024xf32>
    %mul3A_111 = arith.mulf %mul3A_110, %add3A_108 : vector<8x1024xf32>
    %select_n3A_112 = arith.select %gt3A_86, %mul3A_98, %mul3A_111 : vector<8x1024xi1>, vector<8x1024xf32>
    %reduce_sum3A = arith.constant dense<0.000000e+00> : vector<8xf32>
    %reduce_sum3A_113 = vector.multi_reduction <add>, %select_n3A_112, %reduce_sum3A [1] : vector<8x1024xf32> to vector<8xf32>
    %broadcast_in_dim3A_114 = vector.shape_cast %reduce_sum3A_113 : vector<8xf32> to vector<8x1xf32>
    %reduce_sum3A_115 = arith.constant dense<0.000000e+00> : vector<8xf32>
    %reduce_sum3A_116 = vector.multi_reduction <add>, %add3A_83, %reduce_sum3A_115 [1] : vector<8x1024xf32> to vector<8xf32>
    %broadcast_in_dim3A_117 = vector.shape_cast %reduce_sum3A_116 : vector<8xf32> to vector<8x1xf32>
    %reduce_sum3A_118 = vector.shape_cast %broadcast_in_dim3A_117 : vector<8x1xf32> to vector<1x8x1xf32>
    %reduce_sum3A_119 = arith.constant dense<0.000000e+00> : vector<1xf32>
    %reduce_sum3A_120 = vector.multi_reduction <add>, %reduce_sum3A_118, %reduce_sum3A_119 [1, 2] : vector<1x8x1xf32> to vector<1xf32>
    %reduce_sum3A_121 = vector.shape_cast %reduce_sum3A_120 : vector<1xf32> to vector<1x1x1xf32>
    %reduce_sum3A_122 = vector.extract %reduce_sum3A_121[0, 0, 0] : f32 from vector<1x1x1xf32>
    %div3A_123 = arith.constant 8.000000e+00 : f32
    %div3A_124 = arith.divf %reduce_sum3A_122, %div3A_123 : f32
    %sub3A_125 = vector.broadcast %div3A_124 : f32 to vector<8x1xf32>
    %sub3A_126 = arith.subf %broadcast_in_dim3A_117, %sub3A_125 : vector<8x1xf32>
    %integer_pow3A = arith.mulf %sub3A_126, %sub3A_126 : vector<8x1xf32>
    %reduce_sum3A_127 = vector.shape_cast %integer_pow3A : vector<8x1xf32> to vector<1x8x1xf32>
    %reduce_sum3A_128 = arith.constant dense<0.000000e+00> : vector<1xf32>
    %reduce_sum3A_129 = vector.multi_reduction <add>, %reduce_sum3A_127, %reduce_sum3A_128 [1, 2] : vector<1x8x1xf32> to vector<1xf32>
    %reduce_sum3A_130 = vector.shape_cast %reduce_sum3A_129 : vector<1xf32> to vector<1x1x1xf32>
    %reduce_sum3A_131 = vector.extract %reduce_sum3A_130[0, 0, 0] : f32 from vector<1x1x1xf32>
    %div3A_132 = arith.constant 7.000000e+00 : f32
    %div3A_133 = arith.divf %reduce_sum3A_131, %div3A_132 : f32
    %mul3A_134 = arith.mulf %div3A_124, %div3A_124 : f32
    %add3A_135 = arith.constant 1.000000e-10 : f32
    %add3A_136 = arith.addf %mul3A_134, %add3A_135 : f32
    %div3A_137 = arith.divf %div3A_133, %add3A_136 : f32
    %reduce_sum3A_138 = vector.shape_cast %broadcast_in_dim3A_114 : vector<8x1xf32> to vector<1x8x1xf32>
    %reduce_sum3A_139 = arith.constant dense<0.000000e+00> : vector<1xf32>
    %reduce_sum3A_140 = vector.multi_reduction <add>, %reduce_sum3A_138, %reduce_sum3A_139 [1, 2] : vector<1x8x1xf32> to vector<1xf32>
    %reduce_sum3A_141 = vector.shape_cast %reduce_sum3A_140 : vector<1xf32> to vector<1x1x1xf32>
    %reduce_sum3A_142 = vector.extract %reduce_sum3A_141[0, 0, 0] : f32 from vector<1x1x1xf32>
    %div3A_143 = arith.constant 8.000000e+00 : f32
    %div3A_144 = arith.divf %reduce_sum3A_142, %div3A_143 : f32
    %sub3A_145 = vector.broadcast %div3A_144 : f32 to vector<8x1xf32>
    %sub3A_146 = arith.subf %broadcast_in_dim3A_114, %sub3A_145 : vector<8x1xf32>
    %integer_pow3A_147 = arith.mulf %sub3A_146, %sub3A_146 : vector<8x1xf32>
    %reduce_sum3A_148 = vector.shape_cast %integer_pow3A_147 : vector<8x1xf32> to vector<1x8x1xf32>
    %reduce_sum3A_149 = arith.constant dense<0.000000e+00> : vector<1xf32>
    %reduce_sum3A_150 = vector.multi_reduction <add>, %reduce_sum3A_148, %reduce_sum3A_149 [1, 2] : vector<1x8x1xf32> to vector<1xf32>
    %reduce_sum3A_151 = vector.shape_cast %reduce_sum3A_150 : vector<1xf32> to vector<1x1x1xf32>
    %reduce_sum3A_152 = vector.extract %reduce_sum3A_151[0, 0, 0] : f32 from vector<1x1x1xf32>
    %div3A_153 = arith.constant 7.000000e+00 : f32
    %div3A_154 = arith.divf %reduce_sum3A_152, %div3A_153 : f32
    %mul3A_155 = arith.mulf %div3A_144, %div3A_144 : f32
    %add3A_156 = arith.constant 1.000000e-10 : f32
    %add3A_157 = arith.addf %mul3A_155, %add3A_156 : f32
    %div3A_158 = arith.divf %div3A_154, %add3A_157 : f32
    %add3A_159 = arith.addf %div3A_137, %div3A_158 : f32
    %reshape3A = vector.broadcast %add3A_159 : f32 to vector<1x1xf32>
    %swap3A_160 = arith.constant 0 : index
    %swap3A_161 = arith.constant 0 : index
    %swap3A_162 = vector.load %arg7[%swap3A_160, %swap3A_161] : memref<1x1xf32, #tpu.memory_space<vmem>>, vector<1x1xf32>
    tpu.vector_store %arg7[%swap3A_160, %swap3A_161], %reshape3A {strides = array<i32>} : memref<1x1xf32, #tpu.memory_space<vmem>>, vector<1x1xf32>,
    %transpose3A = tpu.transpose %add3A_83, [1, 0] : vector<8x1024xf32> -> vector<1024x8xf32>
    %broadcast_in_dim3A_163 = arith.constant 0.000000e+00 : f32
    %broadcast_in_dim3A_164 = vector.broadcast %broadcast_in_dim3A_163 : f32 to vector<1024x128xf32>
    %slice3A = vector.extract_strided_slice %transpose3A {offsets = [0, 0], sizes = [1024, 1], strides = [1, 1]} : vector<1024x8xf32> to vector<1024x1xf32>
    %get3A_165 = arith.constant 0 : index
    %get3A_166 = arith.constant 0 : index
    %get3A_167 = arith.constant 0 : index
    %get3A_168 = vector.load %arg3[%get3A_165, %get3A_166, %get3A_167] : memref<8x128x128xf32, #tpu.memory_space<vmem>>, vector<1x128x128xf32>
    %get3A_169 = vector.shape_cast %get3A_168 : vector<1x128x128xf32> to vector<128x128xf32>
    %dot_general3A_170 = arith.constant dense<0.000000e+00> : vector<1024x128xf32>
    %dot_general3A_171 = tpu.matmul %add3A, %get3A_169, %dot_general3A_170 {dimension_numbers = #tpu.dot_dimension_numbers<[1], [0], [0], [1], [0, 0, 1, 1], [], []>, transpose_lhs_hint = false} : vector<1024x128xf32>, vector<128x128xf32>, vector<1024x128xf32> -> vector<1024x128xf32>
    %mul3A_172 = vector.broadcast %slice3A : vector<1024x1xf32> to vector<1024x128xf32>
    %mul3A_173 = arith.mulf %mul3A_172, %dot_general3A_171 : vector<1024x128xf32>
    %add3A_174 = arith.addf %broadcast_in_dim3A_164, %mul3A_173 : vector<1024x128xf32>
    %slice3A_175 = vector.extract_strided_slice %transpose3A {offsets = [0, 1], sizes = [1024, 1], strides = [1, 1]} : vector<1024x8xf32> to vector<1024x1xf32>
    %get3A_176 = arith.constant 1 : index
    %get3A_177 = arith.constant 0 : index
    %get3A_178 = arith.constant 0 : index
    %get3A_179 = vector.load %arg3[%get3A_176, %get3A_177, %get3A_178] : memref<8x128x128xf32, #tpu.memory_space<vmem>>, vector<1x128x128xf32>
    %get3A_180 = vector.shape_cast %get3A_179 : vector<1x128x128xf32> to vector<128x128xf32>
    %dot_general3A_181 = arith.constant dense<0.000000e+00> : vector<1024x128xf32>
    %dot_general3A_182 = tpu.matmul %add3A, %get3A_180, %dot_general3A_181 {dimension_numbers = #tpu.dot_dimension_numbers<[1], [0], [0], [1], [0, 0, 1, 1], [], []>, transpose_lhs_hint = false} : vector<1024x128xf32>, vector<128x128xf32>, vector<1024x128xf32> -> vector<1024x128xf32>
    %mul3A_183 = vector.broadcast %slice3A_175 : vector<1024x1xf32> to vector<1024x128xf32>
    %mul3A_184 = arith.mulf %mul3A_183, %dot_general3A_182 : vector<1024x128xf32>
    %add3A_185 = arith.addf %add3A_174, %mul3A_184 : vector<1024x128xf32>
    %slice3A_186 = vector.extract_strided_slice %transpose3A {offsets = [0, 2], sizes = [1024, 1], strides = [1, 1]} : vector<1024x8xf32> to vector<1024x1xf32>
    %get3A_187 = arith.constant 2 : index
    %get3A_188 = arith.constant 0 : index
    %get3A_189 = arith.constant 0 : index
    %get3A_190 = vector.load %arg3[%get3A_187, %get3A_188, %get3A_189] : memref<8x128x128xf32, #tpu.memory_space<vmem>>, vector<1x128x128xf32>
    %get3A_191 = vector.shape_cast %get3A_190 : vector<1x128x128xf32> to vector<128x128xf32>
    %dot_general3A_192 = arith.constant dense<0.000000e+00> : vector<1024x128xf32>
    %dot_general3A_193 = tpu.matmul %add3A, %get3A_191, %dot_general3A_192 {dimension_numbers = #tpu.dot_dimension_numbers<[1], [0], [0], [1], [0, 0, 1, 1], [], []>, transpose_lhs_hint = false} : vector<1024x128xf32>, vector<128x128xf32>, vector<1024x128xf32> -> vector<1024x128xf32>
    %mul3A_194 = vector.broadcast %slice3A_186 : vector<1024x1xf32> to vector<1024x128xf32>
    %mul3A_195 = arith.mulf %mul3A_194, %dot_general3A_193 : vector<1024x128xf32>
    %add3A_196 = arith.addf %add3A_185, %mul3A_195 : vector<1024x128xf32>
    %slice3A_197 = vector.extract_strided_slice %transpose3A {offsets = [0, 3], sizes = [1024, 1], strides = [1, 1]} : vector<1024x8xf32> to vector<1024x1xf32>
    %get3A_198 = arith.constant 3 : index
    %get3A_199 = arith.constant 0 : index
    %get3A_200 = arith.constant 0 : index
    %get3A_201 = vector.load %arg3[%get3A_198, %get3A_199, %get3A_200] : memref<8x128x128xf32, #tpu.memory_space<vmem>>, vector<1x128x128xf32>
    %get3A_202 = vector.shape_cast %get3A_201 : vector<1x128x128xf32> to vector<128x128xf32>
    %dot_general3A_203 = arith.constant dense<0.000000e+00> : vector<1024x128xf32>
    %dot_general3A_204 = tpu.matmul %add3A, %get3A_202, %dot_general3A_203 {dimension_numbers = #tpu.dot_dimension_numbers<[1], [0], [0], [1], [0, 0, 1, 1], [], []>, transpose_lhs_hint = false} : vector<1024x128xf32>, vector<128x128xf32>, vector<1024x128xf32> -> vector<1024x128xf32>
    %mul3A_205 = vector.broadcast %slice3A_197 : vector<1024x1xf32> to vector<1024x128xf32>
    %mul3A_206 = arith.mulf %mul3A_205, %dot_general3A_204 : vector<1024x128xf32>
    %add3A_207 = arith.addf %add3A_196, %mul3A_206 : vector<1024x128xf32>
    %slice3A_208 = vector.extract_strided_slice %transpose3A {offsets = [0, 4], sizes = [1024, 1], strides = [1, 1]} : vector<1024x8xf32> to vector<1024x1xf32>
    %get3A_209 = arith.constant 4 : index
    %get3A_210 = arith.constant 0 : index
    %get3A_211 = arith.constant 0 : index
    %get3A_212 = vector.load %arg3[%get3A_209, %get3A_210, %get3A_211] : memref<8x128x128xf32, #tpu.memory_space<vmem>>, vector<1x128x128xf32>
    %get3A_213 = vector.shape_cast %get3A_212 : vector<1x128x128xf32> to vector<128x128xf32>
    %dot_general3A_214 = arith.constant dense<0.000000e+00> : vector<1024x128xf32>
    %dot_general3A_215 = tpu.matmul %add3A, %get3A_213, %dot_general3A_214 {dimension_numbers = #tpu.dot_dimension_numbers<[1], [0], [0], [1], [0, 0, 1, 1], [], []>, transpose_lhs_hint = false} : vector<1024x128xf32>, vector<128x128xf32>, vector<1024x128xf32> -> vector<1024x128xf32>
    %mul3A_216 = vector.broadcast %slice3A_208 : vector<1024x1xf32> to vector<1024x128xf32>
    %mul3A_217 = arith.mulf %mul3A_216, %dot_general3A_215 : vector<1024x128xf32>
    %add3A_218 = arith.addf %add3A_207, %mul3A_217 : vector<1024x128xf32>
    %slice3A_219 = vector.extract_strided_slice %transpose3A {offsets = [0, 5], sizes = [1024, 1], strides = [1, 1]} : vector<1024x8xf32> to vector<1024x1xf32>
    %get3A_220 = arith.constant 5 : index
    %get3A_221 = arith.constant 0 : index
    %get3A_222 = arith.constant 0 : index
    %get3A_223 = vector.load %arg3[%get3A_220, %get3A_221, %get3A_222] : memref<8x128x128xf32, #tpu.memory_space<vmem>>, vector<1x128x128xf32>
    %get3A_224 = vector.shape_cast %get3A_223 : vector<1x128x128xf32> to vector<128x128xf32>
    %dot_general3A_225 = arith.constant dense<0.000000e+00> : vector<1024x128xf32>
    %dot_general3A_226 = tpu.matmul %add3A, %get3A_224, %dot_general3A_225 {dimension_numbers = #tpu.dot_dimension_numbers<[1], [0], [0], [1], [0, 0, 1, 1], [], []>, transpose_lhs_hint = false} : vector<1024x128xf32>, vector<128x128xf32>, vector<1024x128xf32> -> vector<1024x128xf32>
    %mul3A_227 = vector.broadcast %slice3A_219 : vector<1024x1xf32> to vector<1024x128xf32>
    %mul3A_228 = arith.mulf %mul3A_227, %dot_general3A_226 : vector<1024x128xf32>
    %add3A_229 = arith.addf %add3A_218, %mul3A_228 : vector<1024x128xf32>
    %slice3A_230 = vector.extract_strided_slice %transpose3A {offsets = [0, 6], sizes = [1024, 1], strides = [1, 1]} : vector<1024x8xf32> to vector<1024x1xf32>
    %get3A_231 = arith.constant 6 : index
    %get3A_232 = arith.constant 0 : index
    %get3A_233 = arith.constant 0 : index
    %get3A_234 = vector.load %arg3[%get3A_231, %get3A_232, %get3A_233] : memref<8x128x128xf32, #tpu.memory_space<vmem>>, vector<1x128x128xf32>
    %get3A_235 = vector.shape_cast %get3A_234 : vector<1x128x128xf32> to vector<128x128xf32>
    %dot_general3A_236 = arith.constant dense<0.000000e+00> : vector<1024x128xf32>
    %dot_general3A_237 = tpu.matmul %add3A, %get3A_235, %dot_general3A_236 {dimension_numbers = #tpu.dot_dimension_numbers<[1], [0], [0], [1], [0, 0, 1, 1], [], []>, transpose_lhs_hint = false} : vector<1024x128xf32>, vector<128x128xf32>, vector<1024x128xf32> -> vector<1024x128xf32>
    %mul3A_238 = vector.broadcast %slice3A_230 : vector<1024x1xf32> to vector<1024x128xf32>
    %mul3A_239 = arith.mulf %mul3A_238, %dot_general3A_237 : vector<1024x128xf32>
    %add3A_240 = arith.addf %add3A_229, %mul3A_239 : vector<1024x128xf32>
    %slice3A_241 = vector.extract_strided_slice %transpose3A {offsets = [0, 7], sizes = [1024, 1], strides = [1, 1]} : vector<1024x8xf32> to vector<1024x1xf32>
    %get3A_242 = arith.constant 7 : index
    %get3A_243 = arith.constant 0 : index
    %get3A_244 = arith.constant 0 : index
    %get3A_245 = vector.load %arg3[%get3A_242, %get3A_243, %get3A_244] : memref<8x128x128xf32, #tpu.memory_space<vmem>>, vector<1x128x128xf32>
    %get3A_246 = vector.shape_cast %get3A_245 : vector<1x128x128xf32> to vector<128x128xf32>
    %dot_general3A_247 = arith.constant dense<0.000000e+00> : vector<1024x128xf32>
    %dot_general3A_248 = tpu.matmul %add3A, %get3A_246, %dot_general3A_247 {dimension_numbers = #tpu.dot_dimension_numbers<[1], [0], [0], [1], [0, 0, 1, 1], [], []>, transpose_lhs_hint = false} : vector<1024x128xf32>, vector<128x128xf32>, vector<1024x128xf32> -> vector<1024x128xf32>
    %mul3A_249 = vector.broadcast %slice3A_241 : vector<1024x1xf32> to vector<1024x128xf32>
    %mul3A_250 = arith.mulf %mul3A_249, %dot_general3A_248 : vector<1024x128xf32>
    %add3A_251 = arith.addf %add3A_240, %mul3A_250 : vector<1024x128xf32>
    %mul3A_252 = arith.constant 1.250000e-01 : f32
    %mul3A_253 = vector.broadcast %mul3A_252 : f32 to vector<1024x128xf32>
    %mul3A_254 = arith.mulf %add3A_251, %mul3A_253 : vector<1024x128xf32>
    %swap3A_255 = arith.constant 0 : index
    %swap3A_256 = arith.constant 0 : index
    %swap3A_257 = vector.load %arg5[%swap3A_255, %swap3A_256] : memref<1024x128xf32, #tpu.memory_space<vmem>>, vector<1024x128xf32>
    tpu.vector_store %arg5[%swap3A_255, %swap3A_256], %mul3A_254 {strides = array<i32>} : memref<1024x128xf32, #tpu.memory_space<vmem>>, vector<1024x128xf32>,
    return
  }
}

</mosaic_0001>

<sc_bundles>
// kernel: kernel.4.cloned.1.call-start
scs
__scs_entry_jumppad:
0x0: {  	(pc) =	sbr.rel $0x88, $3  }
0x1: {  	(tag) =	ssettag $0x0;
	lr =	simm.s32 $0x1  }
0x2: {  	[smem:$0x3F9B] =	sst lr;
	_ =	strace $0xD0000000  }
0x3: {  	_ = 	snop  }
0x4: {  	_ = 	snop  }
0x5: {  	_ = 	snop  }
0x6: {  	_ = 	snop  }
0x7: {  	_ = 	snop  }
__scs_overlays_trampoline_lowered:
0x8: {  	[smem:$0x3FAA] =	sst s0  }
0x9: {  	[smem:$0x3FAB] =	sst s1  }
0xa: {  	[smem:$0x3FAC] =	sst s2  }
0xb: {  	[smem:$0x3FAD] =	sst s3  }
0xc: {  	[smem:$0x3FAE] =	sst s4  }
0xd: {  	[smem:$0x3FAF] =	sst s5  }
0xe: {  	[smem:$0x3FB0] =	sst s6  }
0xf: {  	[smem:$0x3FB1] =	sst s7  }
0x10: {  	[smem:$0x3FB2] =	sst s8  }
0x11: {  	[smem:$0x3FB3] =	sst s9;
	s0 =	simm.s32 @!p0 $0x0  }
0x12: {  	s1 =	sld [smem:$0x3F99];
	s0 =	simm.s32 @p0 $0x1  }
0x13: {  	[smem:$0x3FB4] =	sst s0;
	s0 =	simm.s32 @!p1 $0x0  }
0x14: {  	s2 =	sld [smem:$0x3F98];
	s0 =	simm.s32 @p1 $0x1  }
0x15: {  	[smem:$0x3FB5] =	sst s0;
	s0 =	simm.s32 @!p2 $0x0  }
0x16: {  	s3 =	sld [smem:$0x3FDB];
	s0 =	simm.s32 @p2 $0x1  }
0x17: {  	s4 =	simm.s32 $0x1BF5;
	[smem:$0x3FB7] =	sst s0  }
0x18: {  	s0 =	sld [smem:$0x3F9A];
	_ =	swait.ge [sflag:s4], $0x0  }
0x19: {  	s7 =	sld [smem:$0x3F9B]  }
0x1a: {  	s8 =	sadd.s32 $0xFFFFE003, lr  }
0x1b: {  	s9 =	sadd.s32 $0xFFFFFEF7, lr;
	s5 =	simm.s32 $0xFFFFFFFF;
	p2 =	slt.u32 s8, $0xFFFFF086  }
0x1c: {  	p1 =	slt.u32 s9, $0xF7A;
	s5 =	simm.s32 @!p2 $0x0  }
0x1d: {  	s5 =	simm.s32 @p1 $0x1;
	p0 =	seq.s32 s7, s2  }
0x1e: {  	s7 =	smul.u32 @!p0 $0xF7A, s2;
	p2 =	seq.s32 @!p0 s5, $0x0  }
0x1f: {  	s9 =	smul.u32 $0xF7A, s1;
	s8 =	simm.s32 @!p0 $0x1BF5;
	p2 =	por !p2, p0  }
0x20: {  	[sflag:s8] =	ssyncset.s32 @!p0 $0xFFFFF086;
	s6 =	sadd.s32 @!p0 s3, s7;
	s7 =	simm.s32 @!p0 $0x108  }
0x21: {  	s3 =	sadd.s32 s3, s9;
	s6 =	sadd.s32 @!p0 $0x88, s6;
	s7 =	simm.s32 @p2 $0x1082  }
0x22: {  	[simem:s7], [sflag:s8] =	dma.local @!p0 [hbm:s6], $0xF7A  }
0x23: {  	s9 =	sor.u32 $0xD0000000, s2;
	s6 =	simm.s32 $0x108;
	_ =	swait.ge @!p0 [sflag:s8], $0x0  }
0x24: {  	s3 =	sadd.s32 $0x88, s3;
	s6 =	simm.s32 @!p1 $0x1082;
	[sflag:s4] =	ssyncset.s32 $0xFFFFF086  }
0x25: {  	[simem:s6], [sflag:s4] =	dma.local [hbm:s3], $0xF7A  }
0x26: {  	[smem:$0x3F9B] =	sst s1;
	(tag) =	ssettag s2;
	_ =	strace s9  }
0x27: {  	s1 =	sld [smem:$0x3FAB]  }
0x28: {  	s2 =	sld [smem:$0x3FAC]  }
0x29: {  	s4 =	sld [smem:$0x3FAE]  }
0x2a: {  	p0 =	seq.s32 s5, $0x0;
	s5 =	sld [smem:$0x3FAF]  }
0x2b: {  	s6 =	sld [smem:$0x3FB0]  }
0x2c: {  	s7 =	sld [smem:$0x3FB1]  }
0x2d: {  	s3 =	simm.s32 $0x108;
	s8 =	sld [smem:$0x3FB2]  }
0x2e: {  	s3 =	simm.s32 @!p0 $0x1082;
	s9 =	sld [smem:$0x3FB3]  }
0x2f: {  	lr =	sadd.s32 s0, s3;
	s0 =	sld [smem:$0x3FAA]  }
0x30: {  	s3 =	sld [smem:$0x3FAD]  }
0x31: {  	[smem:$0x3FB6] =	sst s10  }
0x32: {  	s10 =	sld [smem:$0x3FB4];
	_ =	sdelay $0x3  }
0x33: {  	p0 =	seq.s32 s10, $0x1;
	s10 =	sld [smem:$0x3FB6];
	_ =	sdelay $0x3  }
0x34: {  	[smem:$0x3FB6] =	sst s10  }
0x35: {  	s10 =	sld [smem:$0x3FB5];
	_ =	sdelay $0x3  }
0x36: {  	p1 =	seq.s32 s10, $0x1;
	s10 =	sld [smem:$0x3FB6];
	_ =	sdelay $0x3  }
0x37: {  	[smem:$0x3FB6] =	sst s10  }
0x38: {  	s10 =	sld [smem:$0x3FB7]  }
0x39: {  	_ = 	snop;
	(pc) =	sbr.ind lr, $3  }
0x3a: {  	_ = 	snop  }
0x3b: {  	_ = 	snop  }
0x3c: {  	p2 =	seq.s32 s10, $0x1;
	s10 =	sld [smem:$0x3FB6]  }
0x3d: {  	_ =	shalt  }
0x3e: {  	_ =	shalt  }
0x3f: {  	_ =	shalt  }
0x40: {  	_ =	shalt  }
0x41: {  	_ =	shalt  }
0x42: {  	_ =	shalt  }
0x43: {  	_ =	shalt  }
0x44: {  	_ =	shalt  }
0x45: {  	_ =	shalt  }
0x46: {  	_ =	shalt  }
0x47: {  	_ =	shalt  }
0x48: {  	_ =	shalt  }
0x49: {  	_ =	shalt  }
0x4a: {  	_ =	shalt  }
0x4b: {  	_ =	shalt  }
0x4c: {  	_ =	shalt  }
0x4d: {  	_ =	shalt  }
0x4e: {  	_ =	shalt  }
0x4f: {  	_ =	shalt  }
0x50: {  	_ =	shalt  }
0x51: {  	_ =	shalt  }
0x52: {  	_ =	shalt  }
0x53: {  	_ =	shalt  }
0x54: {  	_ =	shalt  }
0x55: {  	_ =	shalt  }
0x56: {  	_ =	shalt  }
0x57: {  	_ =	shalt  }
0x58: {  	_ =	shalt  }
0x59: {  	_ =	shalt  }
0x5a: {  	_ =	shalt  }
0x5b: {  	_ =	shalt  }
0x5c: {  	_ =	shalt  }
0x5d: {  	_ =	shalt  }
0x5e: {  	_ =	shalt  }
0x5f: {  	_ =	shalt  }
0x60: {  	_ =	shalt  }
0x61: {  	_ =	shalt  }
0x62: {  	_ =	shalt  }
0x63: {  	_ =	shalt  }
0x64: {  	_ =	shalt  }
0x65: {  	_ =	shalt  }
0x66: {  	_ =	shalt  }
0x67: {  	_ =	shalt  }
0x68: {  	_ =	shalt  }
0x69: {  	_ =	shalt  }
0x6a: {  	_ =	shalt  }
0x6b: {  	_ =	shalt  }
0x6c: {  	_ =	shalt  }
0x6d: {  	_ =	shalt  }
0x6e: {  	_ =	shalt  }
0x6f: {  	_ =	shalt  }
0x70: {  	_ =	shalt  }
0x71: {  	_ =	shalt  }
0x72: {  	_ =	shalt  }
0x73: {  	_ =	shalt  }
0x74: {  	_ =	shalt  }
0x75: {  	_ =	shalt  }
0x76: {  	_ =	shalt  }
0x77: {  	_ =	shalt  }
0x78: {  	_ =	shalt  }
0x79: {  	_ =	shalt  }
0x7a: {  	_ =	shalt  }
0x7b: {  	_ =	shalt  }
0x7c: {  	_ =	shalt  }
0x7d: {  	_ =	shalt  }
0x7e: {  	_ =	shalt  }
0x7f: {  	_ =	shalt  }
0x80: {  	_ =	shalt  }
0x81: {  	_ =	shalt  }
0x82: {  	_ =	shalt  }
0x83: {  	_ =	shalt  }
0x84: {  	_ =	shalt  }
0x85: {  	_ =	shalt  }
0x86: {  	_ =	shalt  }
0x87: {  	_ =	shalt  }
.Lfunc_end0:
.L_simem_size_0:
called_computation_lowered:
.L_overlay_start_0:
0x88: {  	s2 =	sld [smem:$0x3FD9]  }
0x89: {  	s3 =	sld [smem:$0x3FFE];
	_ =	sdelay $0x1  }
0x8a: {  	s1 =	srdreg.scid  }
0x8b: {  	s0 =	sand.u32 $0x1, s1  }
0x8c: {  	s14 =	sshll.u32 s0, $0xA;
	s2 =	sadd.s32 s3, s2  }
0x8d: {  	s2 =	sadd.s32 s2, s14  }
0x8e: {  	[smem:$0x3FC2] =	sst s2  }
0x8f: {  	_ = 	snop  }
0x90: {  	s2 =	sld [smem:$0x3FD0];
	_ =	sdelay $0x2  }
0x91: {  	s4 =	simm.s32 $0xA;
	s5 =	simm.s32 $0x10;
	s15 =	sld [smem:$0x3FC9]  }
0x92: {  	[smem:s5], [sflag:s4] =	dma.local [hbm:s2], $0x1  }
0x93: {  	_ =	swait.eq [sflag:s4], $0x1  }
0x94: {  	[sflag:s4] =	ssyncset.done $0x0  }
0x95: {  	[sflag:s4] =	ssyncadd.s32 $0xFFFFFFFF  }
0x96: {  	s16 =	sld [smem:$0x10];
	(tm) =	ssettm $0x1  }
0x97: {  	s17 =	sld [smem:$0x3FFB];
	_ =	sdelay $0x3  }
0x98: {  	_ =	strace s17  }
0x99: {  	s4 =	sld [smem:$0x3FFC];
	_ =	sdelay $0x3  }
0x9a: {  	_ =	strace s4  }
0x9b: {  	s4 =	sld [smem:$0x3FFD];
	_ =	sdelay $0x3  }
0x9c: {  	_ =	strace s4  }
0x9d: {  	_ =	strace $0x8FFFFFFF  }
0x9e: {  	s18 =	sld [smem:$0x3FDB];
	_ =	sdelay $0x1  }
0x9f: {  	s19 =	simm.s32 $_scs_section_size  }
0xa0: {  	s6 =	simm.s32 $_size__tile_overlayer_lowered;
	s7 =	simm.s32 $_tile_overlayer_lowered  }
0xa1: {  	s22 =	simm.s32 $0x1BFF;
	s21 =	sshll.u32 s7, $0x1;
	s4 =	sadd.s32 s19, s18  }
0xa2: {  	s8 =	simm.s32 $0x0;
	s20 =	sshll.u32 s6, $0x1;
	s6 =	sadd.s32 s21, s4  }
0xa3: {  	[timem:s8], [sflag:s22] =	dma.local [hbm:s6], s20  }
0xa4: {  	_ =	swait.ge [sflag:s22], s20  }
0xa5: {  	s5 =	ssub.s32 $0x0, s20;
	[sflag:s22] =	ssyncset.done $0x0  }
0xa6: {  	[sflag:s22] =	ssyncadd.s32 s5;
	_ =	sdelay $0x1  }
0xa7: {  	s23 =	simm.s32 $0x1B8B  }
0xa8: {  	_ =	swait.ge [sflag:s23], $0x1  }
0xa9: {  	[sflag:s23] =	ssyncset.done $0x0  }
0xaa: {  	s25 =	simm.s32 $0x1B8E;
	s24 =	sld [smem:$0x3FFE];
	[sflag:s23] =	ssyncadd.s32 $0xFFFFFFFF  }
0xab: {  	s26 =	simm.s32 $execute0_lowered;
	[smem:$0x3FD2] =	sst s25  }
0xac: {  	s6 =	sshll.u32 s26, $0x1;
	_ =	strace $0x80000046;
	[dreg:$0x1] =	wrdreg $0xFFFFFFFF  }
0xad: {  	s28 =	simm.s32 $_size_execute0_lowered;
	s4 =	sadd.s32 s4, s6;
	[dreg:$0x0] =	wrdreg $0x0  }
0xae: {  	s6 =	sshll.u32 s28, $0x1;
	[dreg:$0x2] =	wrdreg s4  }
0xaf: {  	[dreg:$0x3] =	wrdreg s6  }
0xb0: {  	[dreg:$0x4] =	wrdreg $0xC0  }
0xb1: {  	_ =	task [dreg:s8], $0x5FFFF  }
0xb2: {  	[dreg:$0x1] =	wrdreg $0xFFFFFFFF  }
0xb3: {  	[dreg:$0x0] =	wrdreg $0x60  }
0xb4: {  	[dreg:$0x2] =	wrdreg s15  }
0xb5: {  	[dreg:$0x3] =	wrdreg s24  }
0xb6: {  	[dreg:$0x4] =	wrdreg s16  }
0xb7: {  	[dreg:$0x5] =	wrdreg $0x145000  }
0xb8: {  	[dreg:$0x6] =	wrdreg $0x9  }
0xb9: {  	_ =	task.clear_ibuf [dreg:s8], $0x7FFFF;
	_ =	strace $0x90000046  }
0xba: {  	s29 =	simm.s32 $0x9;
	_ =	strace $0x80000048  }
0xbb: {  	_ =	swait.ge [sflag:s29], $0x1  }
0xbc: {  	[sflag:s29] =	ssyncadd.s32 $0xFFFFFFFF  }
0xbd: {  	_ =	strace $0x90000048  }
0xbe: {  	_ =	sfence  }
0xbf: {  	s30 =	sld [smem:$0x0];
	_ =	sdelay $0x2  }
0xc0: {  	s31 =	sshll.u32 s1, $0xD;
	s1 =	sshrl.u32 s1, $0x2  }
0xc1: {  	s3 =	sand.u32 $0x4000, s31;
	s1 =	sadd.s32 s1, s30  }
0xc2: {  	s0 =	sor.u32 s3, s0;
	s1 =	sshll.u32 s1, $0x11  }
0xc3: {  	s0 =	sor.u32 s1, s0  }
0xc4: {  	s0 =	sadd.s32 $0x8F2B, s0  }
0xc5: {  	[sflag:s0] =	ssyncadd.remote.s32 $0x1  }
0xc6: {  	_ =	sfence.sel $0xFFFF  }
0xc7: {  	[dreg:$0x0] =	wrdreg $0xFFFFFFFF;
	(pc) =	sbr.abs _section_cstart, $3  }
0xc8: {  	[dreg:$0x1] =	wrdreg $0xFFFFFFFF  }
0xc9: {  	_ =	task.clear_ibuf [dreg:s8], $0x2FFFF;
	_ =	strace $0x9FFFFFFF  }
0xca: {  	(tm) =	ssettm $0x7FFFFFFF  }
0xcb: {  	_ =	shalt  }
tec
execute0_lowered:
.L_overlay_start_1:
0x0: {  	(tag) =	ssettag $0x1  }
0x1: {  	s0 =	rddreg [dreg:$0x0]  }
0x2: {  	s1 =	rddreg [dreg:$0x1];
	s2 =	srdreg.scid  }
0x3: {  	s4 =	rddreg [dreg:$0x2];
	s13 =	stileid.u32  }
0x4: {  	s3 =	simm.s32 $0x0;
	s28 =	simm.s32 $0x7D;
	s29 =	simm.s32 $0x2  }
0x5: {  	s30 =	simm.s32 $0x3;
	s5 =	sand.u32 $0x1, s2;
	s2 =	rddreg [dreg:$0x3]  }
0x6: {  	s31 =	simm.s32 $0x4;
	[smem:$0x7FF] =	sst s3;
	s8 =	sshll.u32 s13, $0xD  }
0x7: {  	s20 =	smul.u32 $0xC35, s13;
	s23 =	sshll.u32 s13, $0xA;
	s24 =	sshll.u32 s13, $0x6  }
0x8: {  	s6 =	sshll.u32 s5, $0x4;
	_ =	strace $0x80000047;
	s9 =	sshll.u32 s5, $0x11  }
0x9: {  	s10 =	ssub.s32 $0x2, s5;
	s5 =	smul.u32 $0xC350, s5;
	s22 =	sadd.s32 s8, s2  }
0xa: {  	s4 =	sadd.s32 s4, s23;
	s23 =	simm.s32 $0xC800;
	s6 =	sor.u32 s13, s6  }
0xb: {  	s9 =	sor.u32 s8, s9;
	s12 =	sshrl.u32 s10, $0x1;
	[dreg:$0xa] =	wrdreg s22  }
0xc: {  	[dreg:$0xb] =	wrdreg s4;
	s22 =	simm.s32 $0x8980;
	s7 =	smul.u32 $0x190, s6  }
0xd: {  	s4 =	simm.s32 $0x7;
	s8 =	simm.s32 $0x0;
	s11 =	smul.u32 $0x61A80, s6  }
0xe: {  	s9 =	sshrl.u32 s9, $0x3;
	s6 =	smul.u32 $0xC350, s6;
	s5 =	sadd.s32 s20, s5  }
0xf: {  	s16 =	ssub.s32 s10, s12;
	s20 =	simm.s32 $0xC80;
	s25 =	sshll.u32 s5, $0x4  }
0x10: {  	s14 =	smax.u32 s16, $0x1;
	s5 =	simm.s32 $0x8;
	s7 =	sadd.s32 s7, s1  }
0x11: {  	s1 =	sadd.s32 s9, s1;
	s17 =	sshrl.u32 s11, $0x3;
	s6 =	sadd.s32 s0, s6  }
0x12: {  	s11 =	sor.u32 $0x1C0B, s24;
	s24 =	simm.s32 $0x10680;
	[dreg:$0x5] =	wrdreg s6  }
0x13: {  	s18 =	sadd.s32 s0, s17;
	s26 =	sadd.s32 $0x1000, s7;
	s1 =	sadd.s32 $0x4200, s1  }
0x14: {  	s0 =	sadd.s32 s25, s0;
	s25 =	simm.s32 $0xB;
	s7 =	simm.s32 $0xA  }
0x15: {  	s10 =	sadd.s32 $0x7D0, s18;
	s19 =	sadd.s32 $0xFA0, s18;
	[dreg:$0xc] =	wrdreg s26  }
0x16: {  	s21 =	sadd.s32 $0x1770, s18;
	s6 =	sadd.s32 $0x1F40, s18;
	[dreg:$0xd] =	wrdreg s1  }
.Ltmp0:
0x17: {  	s15 =	sadd.s32 $0x4650, s0;
	[dreg:$0x6] =	wrdreg s10;
	(pc) =	sbr.rel .LBB2_1-.Ltmp0, $4  }
0x18: {  	s16 =	sadd.s32 $0x3E80, s0;
	s17 =	sadd.s32 $0x36B0, s0;
	[dreg:$0x7] =	wrdreg s19  }
0x19: {  	s18 =	sadd.s32 $0x2EE0, s0;
	s26 =	simm.s32 $0x1;
	[dreg:$0x8] =	wrdreg s21  }
0x1a: {  	s1 =	simm.s32 $0x6;
	[dreg:$0x9] =	wrdreg s6;
	s19 =	sadd.s32 $0x2710, s0  }
0x1b: {  	s21 =	simm.s32 $0x4B00;
	s0 =	simm.s32 $0x5;
	s6 =	simm.s32 $0x9  }
.LBB2_4:
0x1c: {  	_ =	swait.ge [sflag:s4], $0x3E80  }
0x1d: {  	[sflag:s4] =	ssyncset.done $0x0  }
0x1e: {  	[sflag:s4] =	ssyncadd.s32 $0xFFFFC180  }
0x1f: {  	_ =	swait.ge [sflag:s5], $0x3E80  }
0x20: {  	[sflag:s5] =	ssyncset.done $0x0  }
0x21: {  	[sflag:s5] =	ssyncadd.s32 $0xFFFFC180  }
0x22: {  	_ =	swait.ge [sflag:s6], $0x3E80  }
0x23: {  	[sflag:s6] =	ssyncset.done $0x0  }
0x24: {  	[sflag:s6] =	ssyncadd.s32 $0xFFFFC180  }
0x25: {  	_ =	swait.ge [sflag:s7], $0x3E80  }
0x26: {  	[sflag:s7] =	ssyncset.done $0x0  }
0x27: {  	s8 =	sadd.s32 $0x1, s8;
	[sflag:s7] =	ssyncadd.s32 $0xFFFFC180  }
0x28: {  	p0 =	sne.s32 s8, s14;
	[bflag:$0x0] =	sbarrier.arrive $0xFFFF  }
.Ltmp1:
0x29: {  	s10 =	rddreg [dreg:$0xd];
	(pc) =	sbr.rel @!p0 .LBB2_5-.Ltmp1, $4  }
0x2a: {  	[hbm:s10], [sflag:s11] =	dma.local [spmem:s9], $0x400  }
0x2b: {  	_ =	swait.ge [sflag:s25], $0x400  }
0x2c: {  	[sflag:s25] =	ssyncset.done $0x0  }
0x2d: {  	[sflag:s25] =	ssyncadd.s32 $0xFFFFFC00  }
.LBB2_1:
0x2e: {  	s9 =	rddreg [dreg:$0x5]  }
0x2f: {  	s10 =	rddreg [dreg:$0x6]  }
0x30: {  	[tilespmem:s20], [sflag:$0x1] =	stream.linear.gather [hbm4b:s9+s3], $0x3E80, $0x38;
	[tilespmem:$0x16500] =	vst v63  }
0x31: {  	s12 =	rddreg [dreg:$0x7]  }
0x32: {  	[tilespmem:s21], [sflag:$0x2] =	stream.linear.gather [hbm4b:s10+s3], $0x3E80, $0x38;
	[tilespmem:$0x16500] =	vst v63  }
0x33: {  	s13 =	rddreg [dreg:$0x8]  }
0x34: {  	[tilespmem:s22], [sflag:$0x3] =	stream.linear.gather [hbm4b:s12+s3], $0x3E80, $0x38;
	[tilespmem:$0x16500] =	vst v63  }
0x35: {  	s10 =	rddreg [dreg:$0x9]  }
0x36: {  	[tilespmem:s23], [sflag:$0x4] =	stream.linear.gather [hbm4b:s13+s3], $0x3E80, $0x38;
	[tilespmem:$0x16500] =	vst v63  }
0x37: {  	s12 =	rddreg [dreg:$0xa]  }
0x38: {  	[tilespmem:s24], [sflag:$0x5] =	stream.linear.gather [hbm4b:s10+s3], $0x3E80, $0x38;
	[tilespmem:$0x16500] =	vst v63  }
0x39: {  	s9 =	sshrl.u32 s12, $0x3;
	s10 =	rddreg [dreg:$0xb]  }
0x3a: {  	[spmem:s9], [sflag:s11] =	dma.local [hbm:s10], $0x400  }
0x3b: {  	_ =	swait.ge [sflag:s25], $0x400  }
0x3c: {  	[sflag:s25] =	ssyncset.done $0x0  }
0x3d: {  	s13 =	rddreg [dreg:$0xc];
	[sflag:s25] =	ssyncadd.s32 $0xFFFFFC00  }
0x3e: {  	[tilespmem:s3], [sflag:$0xB] =	stream.linear.gather [hbm4b:s13+s3], $0xC80, $0x38;
	[tilespmem:$0x16500] =	vst v63  }
0x3f: {  	_ =	swait.ge [sflag:s25], $0xC80  }
0x40: {  	[sflag:s25] =	ssyncset.done $0x0  }
0x41: {  	[sflag:s25] =	ssyncadd.s32 $0xFFFFF380  }
0x42: {  	s12 =	simm.s32 $0x0;
	s10 =	simm.s32 $0x200;
	[bflag:$0x0] =	sbarrier.arrive $0xFFFF  }
.LBB2_2:
0x43: {  	_ =	swait.ge [sflag:s26], $0x3E80  }
0x44: {  	[sflag:s26] =	ssyncset.done $0x0  }
0x45: {  	s13 =	sadd.s32 $0xFFFFFE00, s10;
	[sflag:s26] =	ssyncadd.s32 $0xFFFFC180  }
0x46: {  	[spmem:s2] =	stream.indirect.scatter.add.f32 [tilespmem:s20], [sflag:$0x6], $0x80, s13, s28, $0xb8;
	[tilespmem:$0x16500] =	vst v63  }
0x47: {  	_ =	swait.ge [sflag:s29], $0x3E80  }
0x48: {  	[sflag:s29] =	ssyncset.done $0x0  }
0x49: {  	s13 =	sadd.s32 $0xFFFFFE80, s10;
	[sflag:s29] =	ssyncadd.s32 $0xFFFFC180  }
0x4a: {  	[spmem:s2] =	stream.indirect.scatter.add.f32 [tilespmem:s21], [sflag:$0x7], $0x80, s13, s28, $0xb8;
	[tilespmem:$0x16500] =	vst v63  }
0x4b: {  	_ =	swait.ge [sflag:s30], $0x3E80  }
0x4c: {  	[sflag:s30] =	ssyncset.done $0x0  }
0x4d: {  	s13 =	sadd.s32 $0xFFFFFF00, s10;
	[sflag:s30] =	ssyncadd.s32 $0xFFFFC180  }
0x4e: {  	[spmem:s2] =	stream.indirect.scatter.add.f32 [tilespmem:s22], [sflag:$0x8], $0x80, s13, s28, $0xb8;
	[tilespmem:$0x16500] =	vst v63  }
0x4f: {  	_ =	swait.ge [sflag:s31], $0x3E80  }
0x50: {  	[sflag:s31] =	ssyncset.done $0x0  }
0x51: {  	s13 =	sadd.s32 $0xFFFFFF80, s10;
	[sflag:s31] =	ssyncadd.s32 $0xFFFFC180  }
0x52: {  	[spmem:s2] =	stream.indirect.scatter.add.f32 [tilespmem:s23], [sflag:$0x9], $0x80, s13, s28, $0xb8;
	[tilespmem:$0x16500] =	vst v63  }
0x53: {  	_ =	swait.ge [sflag:s0], $0x3E80  }
0x54: {  	p0 =	seq.s32 s12, $0x9C40;
	[sflag:s0] =	ssyncset.done $0x0  }
.Ltmp2:
0x55: {  	[sflag:s0] =	ssyncadd.s32 $0xFFFFC180;
	(pc) =	sbr.rel @p0 .LBB2_4-.Ltmp2, $4  }
0x56: {  	[spmem:s2] =	stream.indirect.scatter.add.f32 [tilespmem:s24], [sflag:$0xA], $0x80, s10, s28, $0xb8;
	[tilespmem:$0x16500] =	vst v63  }
0x57: {  	_ =	swait.ge [sflag:s1], $0x3E80  }
0x58: {  	[sflag:s1] =	ssyncset.done $0x0  }
0x59: {  	[sflag:s1] =	ssyncadd.s32 $0xFFFFC180  }
0x5a: {  	s13 =	sadd.s32 s12, s19  }
0x5b: {  	[tilespmem:s20], [sflag:$0x1] =	stream.linear.gather [hbm4b:s13+s3], $0x3E80, $0x38;
	[tilespmem:$0x16500] =	vst v63  }
0x5c: {  	_ =	swait.ge [sflag:s4], $0x3E80  }
0x5d: {  	[sflag:s4] =	ssyncset.done $0x0  }
0x5e: {  	s13 =	sadd.s32 s12, s18;
	[sflag:s4] =	ssyncadd.s32 $0xFFFFC180  }
0x5f: {  	[tilespmem:s21], [sflag:$0x2] =	stream.linear.gather [hbm4b:s13+s3], $0x3E80, $0x38;
	[tilespmem:$0x16500] =	vst v63  }
0x60: {  	_ =	swait.ge [sflag:s5], $0x3E80  }
0x61: {  	[sflag:s5] =	ssyncset.done $0x0  }
0x62: {  	s13 =	sadd.s32 s12, s17;
	[sflag:s5] =	ssyncadd.s32 $0xFFFFC180  }
0x63: {  	[tilespmem:s22], [sflag:$0x3] =	stream.linear.gather [hbm4b:s13+s3], $0x3E80, $0x38;
	[tilespmem:$0x16500] =	vst v63  }
0x64: {  	_ =	swait.ge [sflag:s6], $0x3E80  }
0x65: {  	[sflag:s6] =	ssyncset.done $0x0  }
0x66: {  	s13 =	sadd.s32 s12, s16;
	[sflag:s6] =	ssyncadd.s32 $0xFFFFC180  }
0x67: {  	[tilespmem:s23], [sflag:$0x4] =	stream.linear.gather [hbm4b:s13+s3], $0x3E80, $0x38;
	[tilespmem:$0x16500] =	vst v63  }
.Ltmp3:
0x68: {  	_ = 	snop;
	(pc) =	sbr.rel .LBB2_2-.Ltmp3, $4  }
0x69: {  	_ =	swait.ge [sflag:s7], $0x3E80  }
0x6a: {  	s10 =	sadd.s32 $0x280, s10;
	[sflag:s7] =	ssyncset.done $0x0  }
0x6b: {  	s13 =	sadd.s32 s12, s15;
	s12 =	sadd.s32 $0x2710, s12;
	[sflag:s7] =	ssyncadd.s32 $0xFFFFC180  }
0x6c: {  	[tilespmem:s24], [sflag:$0x5] =	stream.linear.gather [hbm4b:s13+s3], $0x3E80, $0x38;
	[tilespmem:$0x16500] =	vst v63  }
.LBB2_5:
0x6d: {  	_ =	sfence.sel $0x180000  }
0x6e: {  	[bflag:$0x0] =	sbarrier.arrive $0xFFFF  }
0x6f: {  	_ =	strace $0x90000047  }
0x70: {  	s0 =	stileid.u32;
	[bflag:$0x2] =	sbarrier.arrive $0xFFFF  }
0x71: {  	p0 =	sne.s32 s0, $0x0;
	s0 =	rddreg [dreg:$0x4]  }
0x72: {  	s0 =	sadd.s32 @!p0 $0x100000, s0  }
0x73: {  	[sflag:s0] =	ssyncadd.tile.s32 @!p0 $0x1;
	_ =	shalt  }
.Lfunc_end2:
_tile_overlayer_lowered:
.L_overlay_start_2:
0x74: {  	(tag) =	ssettag $0x2  }
0x75: {  	s0 =	rddreg [dreg:$0x0];
	s2 =	stileid.u32  }
0x76: {  	s1 =	rddreg [dreg:$0x1];
	p0 =	sne.s32 s2, $0x0  }
0x77: {  	s3 =	rddreg [dreg:$0x2];
	[bflag:$0x3] =	sbarrier.arrive $0xFFFF;
	s2 =	simm.s32 @!p0 $0x1C0B  }
0x78: {  	[timem:s3], [sflag:s2] =	dma.local @!p0 [hbm:s0], s1  }
0x79: {  	s0 =	simm.s32 @!p0 $0xB  }
0x7a: {  	_ =	swait.ge @!p0 [sflag:s0], s1  }
0x7b: {  	s1 =	ssub.s32 @!p0 $0x0, s1;
	[sflag:s0] =	ssyncset.done @!p0 $0x0  }
0x7c: {  	[sflag:s0] =	ssyncadd.s32 @!p0 s1  }
0x7d: {  	[bflag:$0x3] =	sbarrier.arrive $0xFFFF  }
0x7e: {  	_ =	shalt  }

</sc_bundles>
